<compile_context>
chip_gen: v7x
topology: tpu7x:2x2x1
jax: 0.10.2.dev20260603
libtpu: 0.0.44.dev20260713+nightly
codegen_flags: <defaults>
</compile_context>

<pallas_src>
import functools

import jax
import jax.numpy as jnp
from jax import lax
from jax.experimental import pallas as pl
from jax.experimental.pallas import tpu as pltpu
from jax.experimental.pallas import tpu_sc as plsc

HIDDEN = 128
EPS = 1e-12
LANES = 16
SEGS = HIDDEN // LANES
CHUNK = 128
UNROLL = 4
RING = 4

_GATHER_DNUMS = lax.GatherDimensionNumbers(
    offset_dims=(), collapsed_slice_dims=(0,), start_index_map=(0,))


def _lane_shuffle(x, idx):
    return lax.gather(x, idx.reshape(LANES, 1), _GATHER_DNUMS, (1,),
                      mode=lax.GatherScatterMode.PROMISE_IN_BOUNDS)


def _hsum_all_lanes(x):
    lane = lax.iota(jnp.int32, LANES)
    for k in (8, 4, 2, 1):
        x = x + _lane_shuffle(x, lane ^ k)
    return x


def _rsqrt_vec(v):
    i = lax.bitcast_convert_type(v, jnp.int32)
    i = jnp.int32(0x5F3759DF) - lax.shift_right_logical(i, 1)
    y = lax.bitcast_convert_type(i, jnp.float32)
    return y * (jnp.float32(1.5) - (v * jnp.float32(0.5)) * y * y)


def _normalize_row(in_ref, out_ref, r):
    segs = [in_ref[r, pl.ds(LANES * j, LANES)] for j in range(SEGS)]
    s = segs[0]
    s2 = segs[0] * segs[0]
    for j in range(1, SEGS):
        s = s + segs[j]
        s2 = s2 + segs[j] * segs[j]
    mv = _hsum_all_lanes(s) * jnp.float32(1.0 / HIDDEN)
    rv = (_hsum_all_lanes(s2) * jnp.float32(1.0 / HIDDEN)
          - mv * mv + jnp.float32(EPS))
    y = _rsqrt_vec(rv)
    for j in range(SEGS):
        out_ref[r, pl.ds(LANES * j, LANES)] = (segs[j] - mv) * y


def _make_mesh():
    return plsc.VectorSubcoreMesh(core_axis_name="c", subcore_axis_name="s")


def _num_workers():
    info = plsc.get_sparse_core_info()
    return info.num_cores * info.num_subcores, info.num_cores


@functools.partial(jax.jit, static_argnames=("vocab",))
def _sc_normalize_table(table, vocab):
    nw, nc = _num_workers()
    n_chunks = 25

    @functools.partial(
        pl.kernel,
        out_type=jax.ShapeDtypeStruct((vocab, HIDDEN), jnp.float32),
        mesh=_make_mesh(),
        scratch_types=[
            pltpu.VMEM((CHUNK, HIDDEN), jnp.float32),
            pltpu.VMEM((CHUNK, HIDDEN), jnp.float32),
            pltpu.VMEM((CHUNK, HIDDEN), jnp.float32),
            pltpu.VMEM((CHUNK, HIDDEN), jnp.float32),
            pltpu.SemaphoreType.DMA,
            pltpu.SemaphoreType.DMA,
            pltpu.SemaphoreType.DMA,
            pltpu.SemaphoreType.DMA,
        ],
    )
    def ka(table_hbm, normed_hbm, in0, in1, out0, out1,
           gsem0, gsem1, osem0, osem1):
        wid = lax.axis_index("s") * nc + lax.axis_index("c")
        bufs = ((in0, out0, gsem0, osem0), (in1, out1, gsem1, osem1))

        def start(c):
            return jnp.minimum((wid * n_chunks + c) * CHUNK, vocab - CHUNK)

        def src(c):
            return table_hbm.at[pl.ds(start(c), CHUNK)]

        def dst(c):
            return normed_hbm.at[pl.ds(start(c), CHUNK)]

        def do_chunk(i, c, inb, outb, gsem, osem, last):
            pltpu.make_async_copy(src(0), inb, gsem).wait()

            @pl.when(i > 0)
            def _():
                pltpu.make_async_copy(outb, dst(0), osem).wait()

            @plsc.parallel_loop(0, CHUNK, 1, unroll=UNROLL)
            def _(r):
                _normalize_row(inb, outb, r)

            if not last:
                @pl.when(c + 2 < n_chunks)
                def _():
                    pltpu.async_copy(src(c + 2), inb, gsem)

            pltpu.async_copy(outb, dst(c), osem)

        pltpu.async_copy(src(0), in0, gsem0)
        pltpu.async_copy(src(1), in1, gsem1)

        def pair_body(i, _):
            for b, (inb, outb, gsem, osem) in enumerate(bufs):
                do_chunk(i, 2 * i + b, inb, outb, gsem, osem, last=False)
            return 0

        lax.fori_loop(0, n_chunks // 2, pair_body, 0)
        do_chunk(jnp.int32(n_chunks // 2), n_chunks - 1, in0, out0, gsem0,
                 osem0, last=True)

        pltpu.make_async_copy(out0, dst(0), osem0).wait()
        pltpu.make_async_copy(out1, dst(0), osem1).wait()

    return ka(table)


@functools.partial(jax.jit, static_argnames=("n_rows",))
def _sc_gather_bounce(ids2d, normed, n_rows):
    nw, nc = _num_workers()
    rows_per_w = n_rows // nw
    n_chunks = rows_per_w // CHUNK
    assert rows_per_w % CHUNK == 0 and n_chunks % RING == 0

    @functools.partial(
        pl.kernel,
        out_type=jax.ShapeDtypeStruct((n_rows, HIDDEN), jnp.float32),
        mesh=_make_mesh(),
        scratch_types=[
            pltpu.VMEM((n_chunks, CHUNK), jnp.int32),
        ] + [pltpu.VMEM((CHUNK, HIDDEN), jnp.float32)] * RING
          + [pltpu.SemaphoreType.DMA] * (2 * RING),
    )
    def kb(ids_hbm, normed_hbm, out_hbm, idx_v, *bufs_and_sems):
        bufs = bufs_and_sems[:RING]
        gsems = bufs_and_sems[RING:2 * RING]
        osems = bufs_and_sems[2 * RING:]
        wid = lax.axis_index("s") * nc + lax.axis_index("c")
        w_base = wid * rows_per_w

        pltpu.sync_copy(ids_hbm.at[pl.ds(wid * n_chunks, n_chunks)], idx_v)

        for b in range(RING):
            pltpu.async_copy(normed_hbm.at[idx_v.at[b]], bufs[b], gsems[b])

        def ring_body(i, _):
            for b in range(RING):
                c = RING * i + b
                buf, gsem, osem = bufs[b], gsems[b], osems[b]
                pltpu.make_async_copy(
                    normed_hbm.at[idx_v.at[0]], buf, gsem).wait()
                pltpu.async_copy(
                    buf, out_hbm.at[pl.ds(w_base + c * CHUNK, CHUNK)], osem)

                @pl.when(c + RING < n_chunks)
                def _():
                    pltpu.make_async_copy(
                        buf, out_hbm.at[pl.ds(w_base, CHUNK)], osem).wait()
                    pltpu.async_copy(
                        normed_hbm.at[idx_v.at[c + RING]], buf, gsem)
            return 0

        lax.fori_loop(0, n_chunks // RING, ring_body, 0)

        for b in range(RING):
            pltpu.make_async_copy(
                bufs[b], out_hbm.at[pl.ds(w_base, CHUNK)], osems[b]).wait()

    return kb(ids2d, normed)


def kernel(input_ids, table):
    b, l = input_ids.shape
    n_rows = b * l
    vocab = table.shape[0]
    normed = _sc_normalize_table(table, vocab)
    ids2d = input_ids.reshape(n_rows // CHUNK, CHUNK)
    out = _sc_gather_bounce(ids2d, normed, n_rows)
    return out.reshape(b, l, HIDDEN)

# --- scband reference (transcript-rebuilt; emitter-appended) ---
"""Pipeline reference for scband-word-embedding-71665824301635 (READ-ONLY COPY).

The authoritative reference and input builder live on the scoring server;
editing this copy changes nothing except your own understanding.
"""

import jax, jax.numpy as jnp
import numpy as np

VOCAB = 100000
HIDDEN = 128
EPS = 1e-12

def setup_inputs(seed: int = 0) -> dict:
    key = jax.random.key(seed)
    k1, k2 = jax.random.split(key)
    input_ids = jax.random.randint(k1, (4096, 200), 0, VOCAB, dtype=jnp.int64 if jax.config.jax_enable_x64 else jnp.int32).astype(jnp.int32)
    std = np.sqrt(2.0 / (5.0 * HIDDEN))
    table = jax.random.truncated_normal(k2, -2.0, 2.0, (VOCAB, HIDDEN), dtype=jnp.float32) * std
    return {"input_ids": input_ids, "table": table}

def reference(input_ids, table):
    # embedding lookup
    emb = jnp.take(table, input_ids, axis=0)  # [B, L, H]
    # layer norm without affine params (elementwise_affine=False)
    mean = jnp.mean(emb, axis=-1, keepdims=True)
    var = jnp.mean(jnp.square(emb - mean), axis=-1, keepdims=True)
    normed = (emb - mean) / jnp.sqrt(var + EPS)
    # dropout is identity in eval mode
    return normed

if __name__ == "__main__":
    import jax
    _d = setup_inputs()
    print(jax.jit(kernel)(*tuple(_d.values())))

</pallas_src>

<mosaic_0001>
#map = affine_map<(d0, d1) -> (0, 0)>
module attributes {stable_mosaic.version = 14 : i64} {
  func.func @ka(%arg0: i32, %arg1: i32, %arg2: memref<100000x128xf32, #tpu.memory_space<hbm>>, %arg3: memref<100000x128xf32, #tpu.memory_space<hbm>>, %arg4: memref<128x128xf32, #tpu.memory_space<vmem>>, %arg5: memref<128x128xf32, #tpu.memory_space<vmem>>, %arg6: memref<128x128xf32, #tpu.memory_space<vmem>>, %arg7: memref<128x128xf32, #tpu.memory_space<vmem>>, %arg8: memref<!tpu.dma_semaphore, #tpu.memory_space<semaphore_mem>>, %arg9: memref<!tpu.dma_semaphore, #tpu.memory_space<semaphore_mem>>, %arg10: memref<!tpu.dma_semaphore, #tpu.memory_space<semaphore_mem>>, %arg11: memref<!tpu.dma_semaphore, #tpu.memory_space<semaphore_mem>>) attributes {dimension_semantics = [#tpu.dimension_semantics<core_parallel>, #tpu.dimension_semantics<subcore_parallel>], iteration_bounds = array<i64: 2, 16>, scalar_prefetch = 0 : i64, scratch_operands = 8 : i64, tpu.core_type = #tpu.core_type<sc_vector_subcore>, window_params = [{transform_indices = #map}, {transform_indices = #map}]} {
    %mul3A = arith.constant 2 : i32
    %mul3A_0 = arith.muli %arg1, %mul3A : i32
    %add3A = arith.addi %mul3A_0, %arg0 : i32
    %mul3A_1 = arith.constant 25 : i32
    %mul3A_2 = arith.muli %add3A, %mul3A_1 : i32
    %add3A_3 = arith.constant 0 : i32
    %add3A_4 = arith.addi %mul3A_2, %add3A_3 : i32
    %mul3A_5 = arith.constant 128 : i32
    %mul3A_6 = arith.muli %add3A_4, %mul3A_5 : i32
    %min3A = arith.constant 99872 : i32
    %min3A_7 = arith.minsi %mul3A_6, %min3A : i32
    %dma_start3A = arith.constant 0 : i32
    %dma_start3A_8 = tpu.memref_slice %arg2[%min3A_7, %dma_start3A] : memref<100000x128xf32, #tpu.memory_space<hbm>> -> memref<128x128xf32, #tpu.memory_space<hbm>>
    %dma_start3A_9 = arith.constant 0 : i32
    %dma_start3A_10 = tpu.memref_slice %arg2[%min3A_7, %dma_start3A_9] : memref<100000x128xf32, #tpu.memory_space<hbm>> -> memref<128x128xf32, #tpu.memory_space<hbm>>
    tpu.enqueue_dma source(%dma_start3A_10 : memref<128x128xf32, #tpu.memory_space<hbm>>) target(%arg4 : memref<128x128xf32, #tpu.memory_space<vmem>>) target_semaphore(%arg8 : memref<!tpu.dma_semaphore, #tpu.memory_space<semaphore_mem>>)
    %mul3A_11 = arith.constant 25 : i32
    %mul3A_12 = arith.muli %add3A, %mul3A_11 : i32
    %add3A_13 = arith.constant 1 : i32
    %add3A_14 = arith.addi %mul3A_12, %add3A_13 : i32
    %mul3A_15 = arith.constant 128 : i32
    %mul3A_16 = arith.muli %add3A_14, %mul3A_15 : i32
    %min3A_17 = arith.constant 99872 : i32
    %min3A_18 = arith.minsi %mul3A_16, %min3A_17 : i32
    %dma_start3A_19 = arith.constant 0 : i32
    %dma_start3A_20 = tpu.memref_slice %arg2[%min3A_18, %dma_start3A_19] : memref<100000x128xf32, #tpu.memory_space<hbm>> -> memref<128x128xf32, #tpu.memory_space<hbm>>
    %dma_start3A_21 = arith.constant 0 : i32
    %dma_start3A_22 = tpu.memref_slice %arg2[%min3A_18, %dma_start3A_21] : memref<100000x128xf32, #tpu.memory_space<hbm>> -> memref<128x128xf32, #tpu.memory_space<hbm>>
    tpu.enqueue_dma source(%dma_start3A_22 : memref<128x128xf32, #tpu.memory_space<hbm>>) target(%arg5 : memref<128x128xf32, #tpu.memory_space<vmem>>) target_semaphore(%arg9 : memref<!tpu.dma_semaphore, #tpu.memory_space<semaphore_mem>>)
    %scan3A = arith.constant 0 : i32
    %scan3A_23 = arith.constant 0 : i32
    %scan3A_24 = arith.constant 12 : i32
    %scan3A_25 = arith.addi %scan3A_23, %scan3A_24 : i32
    %scan3A_26 = arith.constant 1 : i32
    %scan3A_27 = scf.for %scan3A_81 = %scan3A_23 to %scan3A_25 step %scan3A_26 iter_args(%scan3A_82 = %scan3A) -> (i32)  : i32 {
      %mul3A_83 = arith.constant 2 : i32
      %mul3A_84 = arith.muli %mul3A_83, %scan3A_81 : i32
      %add3A_85 = arith.constant 0 : i32
      %add3A_86 = arith.addi %mul3A_84, %add3A_85 : i32
      %mul3A_87 = arith.constant 25 : i32
      %mul3A_88 = arith.muli %add3A, %mul3A_87 : i32
      %add3A_89 = arith.constant 0 : i32
      %add3A_90 = arith.addi %mul3A_88, %add3A_89 : i32
      %mul3A_91 = arith.constant 128 : i32
      %mul3A_92 = arith.muli %add3A_90, %mul3A_91 : i32
      %min3A_93 = arith.constant 99872 : i32
      %min3A_94 = arith.minsi %mul3A_92, %min3A_93 : i32
      %dma_wait3A_95 = arith.constant 0 : i32
      %dma_wait3A_96 = tpu.memref_slice %arg2[%min3A_94, %dma_wait3A_95] : memref<100000x128xf32, #tpu.memory_space<hbm>> -> memref<128x128xf32, #tpu.memory_space<hbm>>
      %dma_wait3A_97 = arith.constant 0 : i32
      %dma_wait3A_98 = tpu.memref_slice %arg2[%min3A_94, %dma_wait3A_97] : memref<100000x128xf32, #tpu.memory_space<hbm>> -> memref<128x128xf32, #tpu.memory_space<hbm>>
      tpu.wait_dma2 semaphore(%arg8 : memref<!tpu.dma_semaphore, #tpu.memory_space<semaphore_mem>>) src(%dma_wait3A_98 : memref<128x128xf32, #tpu.memory_space<hbm>>) dst(%arg4 : memref<128x128xf32, #tpu.memory_space<vmem>>)
      %gt3A_99 = arith.constant 0 : i32
      %gt3A_100 = arith.cmpi sgt, %scan3A_81, %gt3A_99 : i32
      %convert_element_type3A_101 = arith.extui %gt3A_100 : i1 to i32
      %cond3A_102 = arith.constant 0 : i32
      %cond3A_103 = arith.cmpi ne, %convert_element_type3A_101, %cond3A_102 : i32
      scf.if %cond3A_103 {
        %mul3A_167 = arith.constant 25 : i32
        %mul3A_168 = arith.muli %add3A, %mul3A_167 : i32
        %add3A_169 = arith.constant 0 : i32
        %add3A_170 = arith.addi %mul3A_168, %add3A_169 : i32
        %mul3A_171 = arith.constant 128 : i32
        %mul3A_172 = arith.muli %add3A_170, %mul3A_171 : i32
        %min3A_173 = arith.constant 99872 : i32
        %min3A_174 = arith.minsi %mul3A_172, %min3A_173 : i32
        %dma_wait3A_175 = arith.constant 0 : i32
        %dma_wait3A_176 = tpu.memref_slice %arg3[%min3A_174, %dma_wait3A_175] : memref<100000x128xf32, #tpu.memory_space<hbm>> -> memref<128x128xf32, #tpu.memory_space<hbm>>
        %dma_wait3A_177 = arith.constant 0 : i32
        %dma_wait3A_178 = tpu.memref_slice %arg3[%min3A_174, %dma_wait3A_177] : memref<100000x128xf32, #tpu.memory_space<hbm>> -> memref<128x128xf32, #tpu.memory_space<hbm>>
        tpu.wait_dma2 semaphore(%arg10 : memref<!tpu.dma_semaphore, #tpu.memory_space<semaphore_mem>>) src(%arg6 : memref<128x128xf32, #tpu.memory_space<vmem>>) dst(%dma_wait3A_178 : memref<128x128xf32, #tpu.memory_space<hbm>>)
      } else {
      }
      %parallel_loop3A_104 = arith.constant 0 : i32
      %parallel_loop3A_105 = arith.constant 128 : i32
      %parallel_loop3A_106 = arith.constant 1 : i32
      scf.for %parallel_loop3A_167 = %parallel_loop3A_104 to %parallel_loop3A_105 step %parallel_loop3A_106  : i32 {
        %parallel_loop3A_168 = arith.index_cast %parallel_loop3A_167 : i32 to index
        %parallel_loop3A_169 = arith.constant 0 : index
        %parallel_loop3A_170 = tpu.vector_load %arg4[%parallel_loop3A_168, %parallel_loop3A_169] {strides = array<i32>} : memref<128x128xf32, #tpu.memory_space<vmem>>, vector<1x16xf32>,
        %parallel_loop3A_171 = vector.shape_cast %parallel_loop3A_170 : vector<1x16xf32> to vector<16xf32>
        %parallel_loop3A_172 = arith.index_cast %parallel_loop3A_167 : i32 to index
        %parallel_loop3A_173 = arith.constant 16 : index
        %parallel_loop3A_174 = tpu.vector_load %arg4[%parallel_loop3A_172, %parallel_loop3A_173] {strides = array<i32>} : memref<128x128xf32, #tpu.memory_space<vmem>>, vector<1x16xf32>,
        %parallel_loop3A_175 = vector.shape_cast %parallel_loop3A_174 : vector<1x16xf32> to vector<16xf32>
        %parallel_loop3A_176 = arith.index_cast %parallel_loop3A_167 : i32 to index
        %parallel_loop3A_177 = arith.constant 32 : index
        %parallel_loop3A_178 = tpu.vector_load %arg4[%parallel_loop3A_176, %parallel_loop3A_177] {strides = array<i32>} : memref<128x128xf32, #tpu.memory_space<vmem>>, vector<1x16xf32>,
        %parallel_loop3A_179 = vector.shape_cast %parallel_loop3A_178 : vector<1x16xf32> to vector<16xf32>
        %parallel_loop3A_180 = arith.index_cast %parallel_loop3A_167 : i32 to index
        %parallel_loop3A_181 = arith.constant 48 : index
        %parallel_loop3A_182 = tpu.vector_load %arg4[%parallel_loop3A_180, %parallel_loop3A_181] {strides = array<i32>} : memref<128x128xf32, #tpu.memory_space<vmem>>, vector<1x16xf32>,
        %parallel_loop3A_183 = vector.shape_cast %parallel_loop3A_182 : vector<1x16xf32> to vector<16xf32>
        %parallel_loop3A_184 = arith.index_cast %parallel_loop3A_167 : i32 to index
        %parallel_loop3A_185 = arith.constant 64 : index
        %parallel_loop3A_186 = tpu.vector_load %arg4[%parallel_loop3A_184, %parallel_loop3A_185] {strides = array<i32>} : memref<128x128xf32, #tpu.memory_space<vmem>>, vector<1x16xf32>,
        %parallel_loop3A_187 = vector.shape_cast %parallel_loop3A_186 : vector<1x16xf32> to vector<16xf32>
        %parallel_loop3A_188 = arith.index_cast %parallel_loop3A_167 : i32 to index
        %parallel_loop3A_189 = arith.constant 80 : index
        %parallel_loop3A_190 = tpu.vector_load %arg4[%parallel_loop3A_188, %parallel_loop3A_189] {strides = array<i32>} : memref<128x128xf32, #tpu.memory_space<vmem>>, vector<1x16xf32>,
        %parallel_loop3A_191 = vector.shape_cast %parallel_loop3A_190 : vector<1x16xf32> to vector<16xf32>
        %parallel_loop3A_192 = arith.index_cast %parallel_loop3A_167 : i32 to index
        %parallel_loop3A_193 = arith.constant 96 : index
        %parallel_loop3A_194 = tpu.vector_load %arg4[%parallel_loop3A_192, %parallel_loop3A_193] {strides = array<i32>} : memref<128x128xf32, #tpu.memory_space<vmem>>, vector<1x16xf32>,
        %parallel_loop3A_195 = vector.shape_cast %parallel_loop3A_194 : vector<1x16xf32> to vector<16xf32>
        %parallel_loop3A_196 = arith.index_cast %parallel_loop3A_167 : i32 to index
        %parallel_loop3A_197 = arith.constant 112 : index
        %parallel_loop3A_198 = tpu.vector_load %arg4[%parallel_loop3A_196, %parallel_loop3A_197] {strides = array<i32>} : memref<128x128xf32, #tpu.memory_space<vmem>>, vector<1x16xf32>,
        %parallel_loop3A_199 = vector.shape_cast %parallel_loop3A_198 : vector<1x16xf32> to vector<16xf32>
        %parallel_loop3A_200 = arith.mulf %parallel_loop3A_171, %parallel_loop3A_171 : vector<16xf32>
        %parallel_loop3A_201 = arith.addf %parallel_loop3A_171, %parallel_loop3A_175 : vector<16xf32>
        %parallel_loop3A_202 = arith.mulf %parallel_loop3A_175, %parallel_loop3A_175 : vector<16xf32>
        %parallel_loop3A_203 = arith.addf %parallel_loop3A_200, %parallel_loop3A_202 : vector<16xf32>
        %parallel_loop3A_204 = arith.addf %parallel_loop3A_201, %parallel_loop3A_179 : vector<16xf32>
        %parallel_loop3A_205 = arith.mulf %parallel_loop3A_179, %parallel_loop3A_179 : vector<16xf32>
        %parallel_loop3A_206 = arith.addf %parallel_loop3A_203, %parallel_loop3A_205 : vector<16xf32>
        %parallel_loop3A_207 = arith.addf %parallel_loop3A_204, %parallel_loop3A_183 : vector<16xf32>
        %parallel_loop3A_208 = arith.mulf %parallel_loop3A_183, %parallel_loop3A_183 : vector<16xf32>
        %parallel_loop3A_209 = arith.addf %parallel_loop3A_206, %parallel_loop3A_208 : vector<16xf32>
        %parallel_loop3A_210 = arith.addf %parallel_loop3A_207, %parallel_loop3A_187 : vector<16xf32>
        %parallel_loop3A_211 = arith.mulf %parallel_loop3A_187, %parallel_loop3A_187 : vector<16xf32>
        %parallel_loop3A_212 = arith.addf %parallel_loop3A_209, %parallel_loop3A_211 : vector<16xf32>
        %parallel_loop3A_213 = arith.addf %parallel_loop3A_210, %parallel_loop3A_191 : vector<16xf32>
        %parallel_loop3A_214 = arith.mulf %parallel_loop3A_191, %parallel_loop3A_191 : vector<16xf32>
        %parallel_loop3A_215 = arith.addf %parallel_loop3A_212, %parallel_loop3A_214 : vector<16xf32>
        %parallel_loop3A_216 = arith.addf %parallel_loop3A_213, %parallel_loop3A_195 : vector<16xf32>
        %parallel_loop3A_217 = arith.mulf %parallel_loop3A_195, %parallel_loop3A_195 : vector<16xf32>
        %parallel_loop3A_218 = arith.addf %parallel_loop3A_215, %parallel_loop3A_217 : vector<16xf32>
        %parallel_loop3A_219 = arith.addf %parallel_loop3A_216, %parallel_loop3A_199 : vector<16xf32>
        %parallel_loop3A_220 = arith.mulf %parallel_loop3A_199, %parallel_loop3A_199 : vector<16xf32>
        %parallel_loop3A_221 = arith.addf %parallel_loop3A_218, %parallel_loop3A_220 : vector<16xf32>
        %parallel_loop3A_222 = tpu.iota {dimensions = array<i32: 0>} : vector<16xi32>
        %parallel_loop3A_223 = arith.constant 8 : i32
        %parallel_loop3A_224 = vector.broadcast %parallel_loop3A_223 : i32 to vector<16xi32>
        %parallel_loop3A_225 = arith.xori %parallel_loop3A_222, %parallel_loop3A_224 : vector<16xi32>
        %parallel_loop3A_226 = vector.shape_cast %parallel_loop3A_225 : vector<16xi32> to vector<16x1xi32>
        %parallel_loop3A_227 = vector.shape_cast %parallel_loop3A_226 : vector<16x1xi32> to vector<16xi32>
        %parallel_loop3A_228 = tpu.dynamic_gather %parallel_loop3A_219[%parallel_loop3A_227] in [0] : vector<16xf32>, vector<16xi32> -> vector<16xf32>
        %parallel_loop3A_229 = arith.addf %parallel_loop3A_219, %parallel_loop3A_228 : vector<16xf32>
        %parallel_loop3A_230 = arith.constant 4 : i32
        %parallel_loop3A_231 = vector.broadcast %parallel_loop3A_230 : i32 to vector<16xi32>
        %parallel_loop3A_232 = arith.xori %parallel_loop3A_222, %parallel_loop3A_231 : vector<16xi32>
        %parallel_loop3A_233 = vector.shape_cast %parallel_loop3A_232 : vector<16xi32> to vector<16x1xi32>
        %parallel_loop3A_234 = vector.shape_cast %parallel_loop3A_233 : vector<16x1xi32> to vector<16xi32>
        %parallel_loop3A_235 = tpu.dynamic_gather %parallel_loop3A_229[%parallel_loop3A_234] in [0] : vector<16xf32>, vector<16xi32> -> vector<16xf32>
        %parallel_loop3A_236 = arith.addf %parallel_loop3A_229, %parallel_loop3A_235 : vector<16xf32>
        %parallel_loop3A_237 = arith.constant 2 : i32
        %parallel_loop3A_238 = vector.broadcast %parallel_loop3A_237 : i32 to vector<16xi32>
        %parallel_loop3A_239 = arith.xori %parallel_loop3A_222, %parallel_loop3A_238 : vector<16xi32>
        %parallel_loop3A_240 = vector.shape_cast %parallel_loop3A_239 : vector<16xi32> to vector<16x1xi32>
        %parallel_loop3A_241 = vector.shape_cast %parallel_loop3A_240 : vector<16x1xi32> to vector<16xi32>
        %parallel_loop3A_242 = tpu.dynamic_gather %parallel_loop3A_236[%parallel_loop3A_241] in [0] : vector<16xf32>, vector<16xi32> -> vector<16xf32>
        %parallel_loop3A_243 = arith.addf %parallel_loop3A_236, %parallel_loop3A_242 : vector<16xf32>
        %parallel_loop3A_244 = arith.constant 1 : i32
        %parallel_loop3A_245 = vector.broadcast %parallel_loop3A_244 : i32 to vector<16xi32>
        %parallel_loop3A_246 = arith.xori %parallel_loop3A_222, %parallel_loop3A_245 : vector<16xi32>
        %parallel_loop3A_247 = vector.shape_cast %parallel_loop3A_246 : vector<16xi32> to vector<16x1xi32>
        %parallel_loop3A_248 = vector.shape_cast %parallel_loop3A_247 : vector<16x1xi32> to vector<16xi32>
        %parallel_loop3A_249 = tpu.dynamic_gather %parallel_loop3A_243[%parallel_loop3A_248] in [0] : vector<16xf32>, vector<16xi32> -> vector<16xf32>
        %parallel_loop3A_250 = arith.addf %parallel_loop3A_243, %parallel_loop3A_249 : vector<16xf32>
        %parallel_loop3A_251 = arith.constant 7.812500e-03 : f32
        %parallel_loop3A_252 = vector.broadcast %parallel_loop3A_251 : f32 to vector<16xf32>
        %parallel_loop3A_253 = arith.mulf %parallel_loop3A_250, %parallel_loop3A_252 : vector<16xf32>
        %parallel_loop3A_254 = tpu.iota {dimensions = array<i32: 0>} : vector<16xi32>
        %parallel_loop3A_255 = arith.constant 8 : i32
        %parallel_loop3A_256 = vector.broadcast %parallel_loop3A_255 : i32 to vector<16xi32>
        %parallel_loop3A_257 = arith.xori %parallel_loop3A_254, %parallel_loop3A_256 : vector<16xi32>
        %parallel_loop3A_258 = vector.shape_cast %parallel_loop3A_257 : vector<16xi32> to vector<16x1xi32>
        %parallel_loop3A_259 = vector.shape_cast %parallel_loop3A_258 : vector<16x1xi32> to vector<16xi32>
        %parallel_loop3A_260 = tpu.dynamic_gather %parallel_loop3A_221[%parallel_loop3A_259] in [0] : vector<16xf32>, vector<16xi32> -> vector<16xf32>
        %parallel_loop3A_261 = arith.addf %parallel_loop3A_221, %parallel_loop3A_260 : vector<16xf32>
        %parallel_loop3A_262 = arith.constant 4 : i32
        %parallel_loop3A_263 = vector.broadcast %parallel_loop3A_262 : i32 to vector<16xi32>
        %parallel_loop3A_264 = arith.xori %parallel_loop3A_254, %parallel_loop3A_263 : vector<16xi32>
        %parallel_loop3A_265 = vector.shape_cast %parallel_loop3A_264 : vector<16xi32> to vector<16x1xi32>
        %parallel_loop3A_266 = vector.shape_cast %parallel_loop3A_265 : vector<16x1xi32> to vector<16xi32>
        %parallel_loop3A_267 = tpu.dynamic_gather %parallel_loop3A_261[%parallel_loop3A_266] in [0] : vector<16xf32>, vector<16xi32> -> vector<16xf32>
        %parallel_loop3A_268 = arith.addf %parallel_loop3A_261, %parallel_loop3A_267 : vector<16xf32>
        %parallel_loop3A_269 = arith.constant 2 : i32
        %parallel_loop3A_270 = vector.broadcast %parallel_loop3A_269 : i32 to vector<16xi32>
        %parallel_loop3A_271 = arith.xori %parallel_loop3A_254, %parallel_loop3A_270 : vector<16xi32>
        %parallel_loop3A_272 = vector.shape_cast %parallel_loop3A_271 : vector<16xi32> to vector<16x1xi32>
        %parallel_loop3A_273 = vector.shape_cast %parallel_loop3A_272 : vector<16x1xi32> to vector<16xi32>
        %parallel_loop3A_274 = tpu.dynamic_gather %parallel_loop3A_268[%parallel_loop3A_273] in [0] : vector<16xf32>, vector<16xi32> -> vector<16xf32>
        %parallel_loop3A_275 = arith.addf %parallel_loop3A_268, %parallel_loop3A_274 : vector<16xf32>
        %parallel_loop3A_276 = arith.constant 1 : i32
        %parallel_loop3A_277 = vector.broadcast %parallel_loop3A_276 : i32 to vector<16xi32>
        %parallel_loop3A_278 = arith.xori %parallel_loop3A_254, %parallel_loop3A_277 : vector<16xi32>
        %parallel_loop3A_279 = vector.shape_cast %parallel_loop3A_278 : vector<16xi32> to vector<16x1xi32>
        %parallel_loop3A_280 = vector.shape_cast %parallel_loop3A_279 : vector<16x1xi32> to vector<16xi32>
        %parallel_loop3A_281 = tpu.dynamic_gather %parallel_loop3A_275[%parallel_loop3A_280] in [0] : vector<16xf32>, vector<16xi32> -> vector<16xf32>
        %parallel_loop3A_282 = arith.addf %parallel_loop3A_275, %parallel_loop3A_281 : vector<16xf32>
        %parallel_loop3A_283 = arith.constant 7.812500e-03 : f32
        %parallel_loop3A_284 = vector.broadcast %parallel_loop3A_283 : f32 to vector<16xf32>
        %parallel_loop3A_285 = arith.mulf %parallel_loop3A_282, %parallel_loop3A_284 : vector<16xf32>
        %parallel_loop3A_286 = arith.mulf %parallel_loop3A_253, %parallel_loop3A_253 : vector<16xf32>
        %parallel_loop3A_287 = arith.subf %parallel_loop3A_285, %parallel_loop3A_286 : vector<16xf32>
        %parallel_loop3A_288 = arith.constant 9.99999996E-13 : f32
        %parallel_loop3A_289 = vector.broadcast %parallel_loop3A_288 : f32 to vector<16xf32>
        %parallel_loop3A_290 = arith.addf %parallel_loop3A_287, %parallel_loop3A_289 : vector<16xf32>
        %parallel_loop3A_291 = tpu.bitcast %parallel_loop3A_290 : vector<16xf32> -> vector<16xi32>
        %parallel_loop3A_292 = arith.constant 1 : i32
        %parallel_loop3A_293 = vector.broadcast %parallel_loop3A_292 : i32 to vector<16xi32>
        %parallel_loop3A_294 = arith.shrui %parallel_loop3A_291, %parallel_loop3A_293 : vector<16xi32>
        %parallel_loop3A_295 = arith.constant 1597463007 : i32
        %parallel_loop3A_296 = vector.broadcast %parallel_loop3A_295 : i32 to vector<16xi32>
        %parallel_loop3A_297 = arith.subi %parallel_loop3A_296, %parallel_loop3A_294 : vector<16xi32>
        %parallel_loop3A_298 = tpu.bitcast %parallel_loop3A_297 : vector<16xi32> -> vector<16xf32>
        %parallel_loop3A_299 = arith.constant 5.000000e-01 : f32
        %parallel_loop3A_300 = vector.broadcast %parallel_loop3A_299 : f32 to vector<16xf32>
        %parallel_loop3A_301 = arith.mulf %parallel_loop3A_290, %parallel_loop3A_300 : vector<16xf32>
        %parallel_loop3A_302 = arith.mulf %parallel_loop3A_301, %parallel_loop3A_298 : vector<16xf32>
        %parallel_loop3A_303 = arith.mulf %parallel_loop3A_302, %parallel_loop3A_298 : vector<16xf32>
        %parallel_loop3A_304 = arith.constant 1.500000e+00 : f32
        %parallel_loop3A_305 = vector.broadcast %parallel_loop3A_304 : f32 to vector<16xf32>
        %parallel_loop3A_306 = arith.subf %parallel_loop3A_305, %parallel_loop3A_303 : vector<16xf32>
        %parallel_loop3A_307 = arith.mulf %parallel_loop3A_298, %parallel_loop3A_306 : vector<16xf32>
        %parallel_loop3A_308 = arith.subf %parallel_loop3A_171, %parallel_loop3A_253 : vector<16xf32>
        %parallel_loop3A_309 = arith.mulf %parallel_loop3A_308, %parallel_loop3A_307 : vector<16xf32>
        %parallel_loop3A_310 = arith.index_cast %parallel_loop3A_167 : i32 to index
        %parallel_loop3A_311 = arith.constant 0 : index
        %parallel_loop3A_312 = tpu.vector_load %arg6[%parallel_loop3A_310, %parallel_loop3A_311] {strides = array<i32>} : memref<128x128xf32, #tpu.memory_space<vmem>>, vector<1x16xf32>,
        %parallel_loop3A_313 = vector.shape_cast %parallel_loop3A_312 : vector<1x16xf32> to vector<16xf32>
        %parallel_loop3A_314 = vector.shape_cast %parallel_loop3A_309 : vector<16xf32> to vector<1x16xf32>
        tpu.vector_store %arg6[%parallel_loop3A_310, %parallel_loop3A_311], %parallel_loop3A_314 {strides = array<i32>} : memref<128x128xf32, #tpu.memory_space<vmem>>, vector<1x16xf32>,
        %parallel_loop3A_315 = arith.subf %parallel_loop3A_175, %parallel_loop3A_253 : vector<16xf32>
        %parallel_loop3A_316 = arith.mulf %parallel_loop3A_315, %parallel_loop3A_307 : vector<16xf32>
        %parallel_loop3A_317 = arith.index_cast %parallel_loop3A_167 : i32 to index
        %parallel_loop3A_318 = arith.constant 16 : index
        %parallel_loop3A_319 = tpu.vector_load %arg6[%parallel_loop3A_317, %parallel_loop3A_318] {strides = array<i32>} : memref<128x128xf32, #tpu.memory_space<vmem>>, vector<1x16xf32>,
        %parallel_loop3A_320 = vector.shape_cast %parallel_loop3A_319 : vector<1x16xf32> to vector<16xf32>
        %parallel_loop3A_321 = vector.shape_cast %parallel_loop3A_316 : vector<16xf32> to vector<1x16xf32>
        tpu.vector_store %arg6[%parallel_loop3A_317, %parallel_loop3A_318], %parallel_loop3A_321 {strides = array<i32>} : memref<128x128xf32, #tpu.memory_space<vmem>>, vector<1x16xf32>,
        %parallel_loop3A_322 = arith.subf %parallel_loop3A_179, %parallel_loop3A_253 : vector<16xf32>
        %parallel_loop3A_323 = arith.mulf %parallel_loop3A_322, %parallel_loop3A_307 : vector<16xf32>
        %parallel_loop3A_324 = arith.index_cast %parallel_loop3A_167 : i32 to index
        %parallel_loop3A_325 = arith.constant 32 : index
        %parallel_loop3A_326 = tpu.vector_load %arg6[%parallel_loop3A_324, %parallel_loop3A_325] {strides = array<i32>} : memref<128x128xf32, #tpu.memory_space<vmem>>, vector<1x16xf32>,
        %parallel_loop3A_327 = vector.shape_cast %parallel_loop3A_326 : vector<1x16xf32> to vector<16xf32>
        %parallel_loop3A_328 = vector.shape_cast %parallel_loop3A_323 : vector<16xf32> to vector<1x16xf32>
        tpu.vector_store %arg6[%parallel_loop3A_324, %parallel_loop3A_325], %parallel_loop3A_328 {strides = array<i32>} : memref<128x128xf32, #tpu.memory_space<vmem>>, vector<1x16xf32>,
        %parallel_loop3A_329 = arith.subf %parallel_loop3A_183, %parallel_loop3A_253 : vector<16xf32>
        %parallel_loop3A_330 = arith.mulf %parallel_loop3A_329, %parallel_loop3A_307 : vector<16xf32>
        %parallel_loop3A_331 = arith.index_cast %parallel_loop3A_167 : i32 to index
        %parallel_loop3A_332 = arith.constant 48 : index
        %parallel_loop3A_333 = tpu.vector_load %arg6[%parallel_loop3A_331, %parallel_loop3A_332] {strides = array<i32>} : memref<128x128xf32, #tpu.memory_space<vmem>>, vector<1x16xf32>,
        %parallel_loop3A_334 = vector.shape_cast %parallel_loop3A_333 : vector<1x16xf32> to vector<16xf32>
        %parallel_loop3A_335 = vector.shape_cast %parallel_loop3A_330 : vector<16xf32> to vector<1x16xf32>
        tpu.vector_store %arg6[%parallel_loop3A_331, %parallel_loop3A_332], %parallel_loop3A_335 {strides = array<i32>} : memref<128x128xf32, #tpu.memory_space<vmem>>, vector<1x16xf32>,
        %parallel_loop3A_336 = arith.subf %parallel_loop3A_187, %parallel_loop3A_253 : vector<16xf32>
        %parallel_loop3A_337 = arith.mulf %parallel_loop3A_336, %parallel_loop3A_307 : vector<16xf32>
        %parallel_loop3A_338 = arith.index_cast %parallel_loop3A_167 : i32 to index
        %parallel_loop3A_339 = arith.constant 64 : index
        %parallel_loop3A_340 = tpu.vector_load %arg6[%parallel_loop3A_338, %parallel_loop3A_339] {strides = array<i32>} : memref<128x128xf32, #tpu.memory_space<vmem>>, vector<1x16xf32>,
        %parallel_loop3A_341 = vector.shape_cast %parallel_loop3A_340 : vector<1x16xf32> to vector<16xf32>
        %parallel_loop3A_342 = vector.shape_cast %parallel_loop3A_337 : vector<16xf32> to vector<1x16xf32>
        tpu.vector_store %arg6[%parallel_loop3A_338, %parallel_loop3A_339], %parallel_loop3A_342 {strides = array<i32>} : memref<128x128xf32, #tpu.memory_space<vmem>>, vector<1x16xf32>,
        %parallel_loop3A_343 = arith.subf %parallel_loop3A_191, %parallel_loop3A_253 : vector<16xf32>
        %parallel_loop3A_344 = arith.mulf %parallel_loop3A_343, %parallel_loop3A_307 : vector<16xf32>
        %parallel_loop3A_345 = arith.index_cast %parallel_loop3A_167 : i32 to index
        %parallel_loop3A_346 = arith.constant 80 : index
        %parallel_loop3A_347 = tpu.vector_load %arg6[%parallel_loop3A_345, %parallel_loop3A_346] {strides = array<i32>} : memref<128x128xf32, #tpu.memory_space<vmem>>, vector<1x16xf32>,
        %parallel_loop3A_348 = vector.shape_cast %parallel_loop3A_347 : vector<1x16xf32> to vector<16xf32>
        %parallel_loop3A_349 = vector.shape_cast %parallel_loop3A_344 : vector<16xf32> to vector<1x16xf32>
        tpu.vector_store %arg6[%parallel_loop3A_345, %parallel_loop3A_346], %parallel_loop3A_349 {strides = array<i32>} : memref<128x128xf32, #tpu.memory_space<vmem>>, vector<1x16xf32>,
        %parallel_loop3A_350 = arith.subf %parallel_loop3A_195, %parallel_loop3A_253 : vector<16xf32>
        %parallel_loop3A_351 = arith.mulf %parallel_loop3A_350, %parallel_loop3A_307 : vector<16xf32>
        %parallel_loop3A_352 = arith.index_cast %parallel_loop3A_167 : i32 to index
        %parallel_loop3A_353 = arith.constant 96 : index
        %parallel_loop3A_354 = tpu.vector_load %arg6[%parallel_loop3A_352, %parallel_loop3A_353] {strides = array<i32>} : memref<128x128xf32, #tpu.memory_space<vmem>>, vector<1x16xf32>,
        %parallel_loop3A_355 = vector.shape_cast %parallel_loop3A_354 : vector<1x16xf32> to vector<16xf32>
        %parallel_loop3A_356 = vector.shape_cast %parallel_loop3A_351 : vector<16xf32> to vector<1x16xf32>
        tpu.vector_store %arg6[%parallel_loop3A_352, %parallel_loop3A_353], %parallel_loop3A_356 {strides = array<i32>} : memref<128x128xf32, #tpu.memory_space<vmem>>, vector<1x16xf32>,
        %parallel_loop3A_357 = arith.subf %parallel_loop3A_199, %parallel_loop3A_253 : vector<16xf32>
        %parallel_loop3A_358 = arith.mulf %parallel_loop3A_357, %parallel_loop3A_307 : vector<16xf32>
        %parallel_loop3A_359 = arith.index_cast %parallel_loop3A_167 : i32 to index
        %parallel_loop3A_360 = arith.constant 112 : index
        %parallel_loop3A_361 = tpu.vector_load %arg6[%parallel_loop3A_359, %parallel_loop3A_360] {strides = array<i32>} : memref<128x128xf32, #tpu.memory_space<vmem>>, vector<1x16xf32>,
        %parallel_loop3A_362 = vector.shape_cast %parallel_loop3A_361 : vector<1x16xf32> to vector<16xf32>
        %parallel_loop3A_363 = vector.shape_cast %parallel_loop3A_358 : vector<16xf32> to vector<1x16xf32>
        tpu.vector_store %arg6[%parallel_loop3A_359, %parallel_loop3A_360], %parallel_loop3A_363 {strides = array<i32>} : memref<128x128xf32, #tpu.memory_space<vmem>>, vector<1x16xf32>,
      } {sc.loop_unroll_factor = 4 : i64, sc.parallel_access}
      %add3A_107 = arith.constant 2 : i32
      %add3A_108 = arith.addi %add3A_86, %add3A_107 : i32
      %lt3A = arith.constant 25 : i32
      %lt3A_109 = arith.cmpi slt, %add3A_108, %lt3A : i32
      %convert_element_type3A_110 = arith.extui %lt3A_109 : i1 to i32
      %cond3A_111 = arith.constant 0 : i32
      %cond3A_112 = arith.cmpi ne, %convert_element_type3A_110, %cond3A_111 : i32
      scf.if %cond3A_112 {
        %add3A_167 = arith.constant 2 : i32
        %add3A_168 = arith.addi %add3A_86, %add3A_167 : i32
        %mul3A_169 = arith.constant 25 : i32
        %mul3A_170 = arith.muli %add3A, %mul3A_169 : i32
        %add3A_171 = arith.addi %mul3A_170, %add3A_168 : i32
        %mul3A_172 = arith.constant 128 : i32
        %mul3A_173 = arith.muli %add3A_171, %mul3A_172 : i32
        %min3A_174 = arith.constant 99872 : i32
        %min3A_175 = arith.minsi %mul3A_173, %min3A_174 : i32
        %dma_start3A_176 = arith.constant 0 : i32
        %dma_start3A_177 = tpu.memref_slice %arg2[%min3A_175, %dma_start3A_176] : memref<100000x128xf32, #tpu.memory_space<hbm>> -> memref<128x128xf32, #tpu.memory_space<hbm>>
        %dma_start3A_178 = arith.constant 0 : i32
        %dma_start3A_179 = tpu.memref_slice %arg2[%min3A_175, %dma_start3A_178] : memref<100000x128xf32, #tpu.memory_space<hbm>> -> memref<128x128xf32, #tpu.memory_space<hbm>>
        tpu.enqueue_dma source(%dma_start3A_179 : memref<128x128xf32, #tpu.memory_space<hbm>>) target(%arg4 : memref<128x128xf32, #tpu.memory_space<vmem>>) target_semaphore(%arg8 : memref<!tpu.dma_semaphore, #tpu.memory_space<semaphore_mem>>)
      } else {
      }
      %mul3A_113 = arith.constant 25 : i32
      %mul3A_114 = arith.muli %add3A, %mul3A_113 : i32
      %add3A_115 = arith.addi %mul3A_114, %add3A_86 : i32
      %mul3A_116 = arith.constant 128 : i32
      %mul3A_117 = arith.muli %add3A_115, %mul3A_116 : i32
      %min3A_118 = arith.constant 99872 : i32
      %min3A_119 = arith.minsi %mul3A_117, %min3A_118 : i32
      %dma_start3A_120 = arith.constant 0 : i32
      %dma_start3A_121 = tpu.memref_slice %arg3[%min3A_119, %dma_start3A_120] : memref<100000x128xf32, #tpu.memory_space<hbm>> -> memref<128x128xf32, #tpu.memory_space<hbm>>
      %dma_start3A_122 = arith.constant 0 : i32
      %dma_start3A_123 = tpu.memref_slice %arg3[%min3A_119, %dma_start3A_122] : memref<100000x128xf32, #tpu.memory_space<hbm>> -> memref<128x128xf32, #tpu.memory_space<hbm>>
      tpu.enqueue_dma source(%arg6 : memref<128x128xf32, #tpu.memory_space<vmem>>) target(%dma_start3A_123 : memref<128x128xf32, #tpu.memory_space<hbm>>) target_semaphore(%arg10 : memref<!tpu.dma_semaphore, #tpu.memory_space<semaphore_mem>>)
      %mul3A_124 = arith.constant 2 : i32
      %mul3A_125 = arith.muli %mul3A_124, %scan3A_81 : i32
      %add3A_126 = arith.constant 1 : i32
      %add3A_127 = arith.addi %mul3A_125, %add3A_126 : i32
      %mul3A_128 = arith.constant 25 : i32
      %mul3A_129 = arith.muli %add3A, %mul3A_128 : i32
      %add3A_130 = arith.constant 0 : i32
      %add3A_131 = arith.addi %mul3A_129, %add3A_130 : i32
      %mul3A_132 = arith.constant 128 : i32
      %mul3A_133 = arith.muli %add3A_131, %mul3A_132 : i32
      %min3A_134 = arith.constant 99872 : i32
      %min3A_135 = arith.minsi %mul3A_133, %min3A_134 : i32
      %dma_wait3A_136 = arith.constant 0 : i32
      %dma_wait3A_137 = tpu.memref_slice %arg2[%min3A_135, %dma_wait3A_136] : memref<100000x128xf32, #tpu.memory_space<hbm>> -> memref<128x128xf32, #tpu.memory_space<hbm>>
      %dma_wait3A_138 = arith.constant 0 : i32
      %dma_wait3A_139 = tpu.memref_slice %arg2[%min3A_135, %dma_wait3A_138] : memref<100000x128xf32, #tpu.memory_space<hbm>> -> memref<128x128xf32, #tpu.memory_space<hbm>>
      tpu.wait_dma2 semaphore(%arg9 : memref<!tpu.dma_semaphore, #tpu.memory_space<semaphore_mem>>) src(%dma_wait3A_139 : memref<128x128xf32, #tpu.memory_space<hbm>>) dst(%arg5 : memref<128x128xf32, #tpu.memory_space<vmem>>)
      %gt3A_140 = arith.constant 0 : i32
      %gt3A_141 = arith.cmpi sgt, %scan3A_81, %gt3A_140 : i32
      %convert_element_type3A_142 = arith.extui %gt3A_141 : i1 to i32
      %cond3A_143 = arith.constant 0 : i32
      %cond3A_144 = arith.cmpi ne, %convert_element_type3A_142, %cond3A_143 : i32
      scf.if %cond3A_144 {
        %mul3A_167 = arith.constant 25 : i32
        %mul3A_168 = arith.muli %add3A, %mul3A_167 : i32
        %add3A_169 = arith.constant 0 : i32
        %add3A_170 = arith.addi %mul3A_168, %add3A_169 : i32
        %mul3A_171 = arith.constant 128 : i32
        %mul3A_172 = arith.muli %add3A_170, %mul3A_171 : i32
        %min3A_173 = arith.constant 99872 : i32
        %min3A_174 = arith.minsi %mul3A_172, %min3A_173 : i32
        %dma_wait3A_175 = arith.constant 0 : i32
        %dma_wait3A_176 = tpu.memref_slice %arg3[%min3A_174, %dma_wait3A_175] : memref<100000x128xf32, #tpu.memory_space<hbm>> -> memref<128x128xf32, #tpu.memory_space<hbm>>
        %dma_wait3A_177 = arith.constant 0 : i32
        %dma_wait3A_178 = tpu.memref_slice %arg3[%min3A_174, %dma_wait3A_177] : memref<100000x128xf32, #tpu.memory_space<hbm>> -> memref<128x128xf32, #tpu.memory_space<hbm>>
        tpu.wait_dma2 semaphore(%arg11 : memref<!tpu.dma_semaphore, #tpu.memory_space<semaphore_mem>>) src(%arg7 : memref<128x128xf32, #tpu.memory_space<vmem>>) dst(%dma_wait3A_178 : memref<128x128xf32, #tpu.memory_space<hbm>>)
      } else {
      }
      %parallel_loop3A_145 = arith.constant 0 : i32
      %parallel_loop3A_146 = arith.constant 128 : i32
      %parallel_loop3A_147 = arith.constant 1 : i32
      scf.for %parallel_loop3A_167 = %parallel_loop3A_145 to %parallel_loop3A_146 step %parallel_loop3A_147  : i32 {
        %parallel_loop3A_168 = arith.index_cast %parallel_loop3A_167 : i32 to index
        %parallel_loop3A_169 = arith.constant 0 : index
        %parallel_loop3A_170 = tpu.vector_load %arg5[%parallel_loop3A_168, %parallel_loop3A_169] {strides = array<i32>} : memref<128x128xf32, #tpu.memory_space<vmem>>, vector<1x16xf32>,
        %parallel_loop3A_171 = vector.shape_cast %parallel_loop3A_170 : vector<1x16xf32> to vector<16xf32>
        %parallel_loop3A_172 = arith.index_cast %parallel_loop3A_167 : i32 to index
        %parallel_loop3A_173 = arith.constant 16 : index
        %parallel_loop3A_174 = tpu.vector_load %arg5[%parallel_loop3A_172, %parallel_loop3A_173] {strides = array<i32>} : memref<128x128xf32, #tpu.memory_space<vmem>>, vector<1x16xf32>,
        %parallel_loop3A_175 = vector.shape_cast %parallel_loop3A_174 : vector<1x16xf32> to vector<16xf32>
        %parallel_loop3A_176 = arith.index_cast %parallel_loop3A_167 : i32 to index
        %parallel_loop3A_177 = arith.constant 32 : index
        %parallel_loop3A_178 = tpu.vector_load %arg5[%parallel_loop3A_176, %parallel_loop3A_177] {strides = array<i32>} : memref<128x128xf32, #tpu.memory_space<vmem>>, vector<1x16xf32>,
        %parallel_loop3A_179 = vector.shape_cast %parallel_loop3A_178 : vector<1x16xf32> to vector<16xf32>
        %parallel_loop3A_180 = arith.index_cast %parallel_loop3A_167 : i32 to index
        %parallel_loop3A_181 = arith.constant 48 : index
        %parallel_loop3A_182 = tpu.vector_load %arg5[%parallel_loop3A_180, %parallel_loop3A_181] {strides = array<i32>} : memref<128x128xf32, #tpu.memory_space<vmem>>, vector<1x16xf32>,
        %parallel_loop3A_183 = vector.shape_cast %parallel_loop3A_182 : vector<1x16xf32> to vector<16xf32>
        %parallel_loop3A_184 = arith.index_cast %parallel_loop3A_167 : i32 to index
        %parallel_loop3A_185 = arith.constant 64 : index
        %parallel_loop3A_186 = tpu.vector_load %arg5[%parallel_loop3A_184, %parallel_loop3A_185] {strides = array<i32>} : memref<128x128xf32, #tpu.memory_space<vmem>>, vector<1x16xf32>,
        %parallel_loop3A_187 = vector.shape_cast %parallel_loop3A_186 : vector<1x16xf32> to vector<16xf32>
        %parallel_loop3A_188 = arith.index_cast %parallel_loop3A_167 : i32 to index
        %parallel_loop3A_189 = arith.constant 80 : index
        %parallel_loop3A_190 = tpu.vector_load %arg5[%parallel_loop3A_188, %parallel_loop3A_189] {strides = array<i32>} : memref<128x128xf32, #tpu.memory_space<vmem>>, vector<1x16xf32>,
        %parallel_loop3A_191 = vector.shape_cast %parallel_loop3A_190 : vector<1x16xf32> to vector<16xf32>
        %parallel_loop3A_192 = arith.index_cast %parallel_loop3A_167 : i32 to index
        %parallel_loop3A_193 = arith.constant 96 : index
        %parallel_loop3A_194 = tpu.vector_load %arg5[%parallel_loop3A_192, %parallel_loop3A_193] {strides = array<i32>} : memref<128x128xf32, #tpu.memory_space<vmem>>, vector<1x16xf32>,
        %parallel_loop3A_195 = vector.shape_cast %parallel_loop3A_194 : vector<1x16xf32> to vector<16xf32>
        %parallel_loop3A_196 = arith.index_cast %parallel_loop3A_167 : i32 to index
        %parallel_loop3A_197 = arith.constant 112 : index
        %parallel_loop3A_198 = tpu.vector_load %arg5[%parallel_loop3A_196, %parallel_loop3A_197] {strides = array<i32>} : memref<128x128xf32, #tpu.memory_space<vmem>>, vector<1x16xf32>,
        %parallel_loop3A_199 = vector.shape_cast %parallel_loop3A_198 : vector<1x16xf32> to vector<16xf32>
        %parallel_loop3A_200 = arith.mulf %parallel_loop3A_171, %parallel_loop3A_171 : vector<16xf32>
        %parallel_loop3A_201 = arith.addf %parallel_loop3A_171, %parallel_loop3A_175 : vector<16xf32>
        %parallel_loop3A_202 = arith.mulf %parallel_loop3A_175, %parallel_loop3A_175 : vector<16xf32>
        %parallel_loop3A_203 = arith.addf %parallel_loop3A_200, %parallel_loop3A_202 : vector<16xf32>
        %parallel_loop3A_204 = arith.addf %parallel_loop3A_201, %parallel_loop3A_179 : vector<16xf32>
        %parallel_loop3A_205 = arith.mulf %parallel_loop3A_179, %parallel_loop3A_179 : vector<16xf32>
        %parallel_loop3A_206 = arith.addf %parallel_loop3A_203, %parallel_loop3A_205 : vector<16xf32>
        %parallel_loop3A_207 = arith.addf %parallel_loop3A_204, %parallel_loop3A_183 : vector<16xf32>
        %parallel_loop3A_208 = arith.mulf %parallel_loop3A_183, %parallel_loop3A_183 : vector<16xf32>
        %parallel_loop3A_209 = arith.addf %parallel_loop3A_206, %parallel_loop3A_208 : vector<16xf32>
        %parallel_loop3A_210 = arith.addf %parallel_loop3A_207, %parallel_loop3A_187 : vector<16xf32>
        %parallel_loop3A_211 = arith.mulf %parallel_loop3A_187, %parallel_loop3A_187 : vector<16xf32>
        %parallel_loop3A_212 = arith.addf %parallel_loop3A_209, %parallel_loop3A_211 : vector<16xf32>
        %parallel_loop3A_213 = arith.addf %parallel_loop3A_210, %parallel_loop3A_191 : vector<16xf32>
        %parallel_loop3A_214 = arith.mulf %parallel_loop3A_191, %parallel_loop3A_191 : vector<16xf32>
        %parallel_loop3A_215 = arith.addf %parallel_loop3A_212, %parallel_loop3A_214 : vector<16xf32>
        %parallel_loop3A_216 = arith.addf %parallel_loop3A_213, %parallel_loop3A_195 : vector<16xf32>
        %parallel_loop3A_217 = arith.mulf %parallel_loop3A_195, %parallel_loop3A_195 : vector<16xf32>
        %parallel_loop3A_218 = arith.addf %parallel_loop3A_215, %parallel_loop3A_217 : vector<16xf32>
        %parallel_loop3A_219 = arith.addf %parallel_loop3A_216, %parallel_loop3A_199 : vector<16xf32>
        %parallel_loop3A_220 = arith.mulf %parallel_loop3A_199, %parallel_loop3A_199 : vector<16xf32>
        %parallel_loop3A_221 = arith.addf %parallel_loop3A_218, %parallel_loop3A_220 : vector<16xf32>
        %parallel_loop3A_222 = tpu.iota {dimensions = array<i32: 0>} : vector<16xi32>
        %parallel_loop3A_223 = arith.constant 8 : i32
        %parallel_loop3A_224 = vector.broadcast %parallel_loop3A_223 : i32 to vector<16xi32>
        %parallel_loop3A_225 = arith.xori %parallel_loop3A_222, %parallel_loop3A_224 : vector<16xi32>
        %parallel_loop3A_226 = vector.shape_cast %parallel_loop3A_225 : vector<16xi32> to vector<16x1xi32>
        %parallel_loop3A_227 = vector.shape_cast %parallel_loop3A_226 : vector<16x1xi32> to vector<16xi32>
        %parallel_loop3A_228 = tpu.dynamic_gather %parallel_loop3A_219[%parallel_loop3A_227] in [0] : vector<16xf32>, vector<16xi32> -> vector<16xf32>
        %parallel_loop3A_229 = arith.addf %parallel_loop3A_219, %parallel_loop3A_228 : vector<16xf32>
        %parallel_loop3A_230 = arith.constant 4 : i32
        %parallel_loop3A_231 = vector.broadcast %parallel_loop3A_230 : i32 to vector<16xi32>
        %parallel_loop3A_232 = arith.xori %parallel_loop3A_222, %parallel_loop3A_231 : vector<16xi32>
        %parallel_loop3A_233 = vector.shape_cast %parallel_loop3A_232 : vector<16xi32> to vector<16x1xi32>
        %parallel_loop3A_234 = vector.shape_cast %parallel_loop3A_233 : vector<16x1xi32> to vector<16xi32>
        %parallel_loop3A_235 = tpu.dynamic_gather %parallel_loop3A_229[%parallel_loop3A_234] in [0] : vector<16xf32>, vector<16xi32> -> vector<16xf32>
        %parallel_loop3A_236 = arith.addf %parallel_loop3A_229, %parallel_loop3A_235 : vector<16xf32>
        %parallel_loop3A_237 = arith.constant 2 : i32
        %parallel_loop3A_238 = vector.broadcast %parallel_loop3A_237 : i32 to vector<16xi32>
        %parallel_loop3A_239 = arith.xori %parallel_loop3A_222, %parallel_loop3A_238 : vector<16xi32>
        %parallel_loop3A_240 = vector.shape_cast %parallel_loop3A_239 : vector<16xi32> to vector<16x1xi32>
        %parallel_loop3A_241 = vector.shape_cast %parallel_loop3A_240 : vector<16x1xi32> to vector<16xi32>
        %parallel_loop3A_242 = tpu.dynamic_gather %parallel_loop3A_236[%parallel_loop3A_241] in [0] : vector<16xf32>, vector<16xi32> -> vector<16xf32>
        %parallel_loop3A_243 = arith.addf %parallel_loop3A_236, %parallel_loop3A_242 : vector<16xf32>
        %parallel_loop3A_244 = arith.constant 1 : i32
        %parallel_loop3A_245 = vector.broadcast %parallel_loop3A_244 : i32 to vector<16xi32>
        %parallel_loop3A_246 = arith.xori %parallel_loop3A_222, %parallel_loop3A_245 : vector<16xi32>
        %parallel_loop3A_247 = vector.shape_cast %parallel_loop3A_246 : vector<16xi32> to vector<16x1xi32>
        %parallel_loop3A_248 = vector.shape_cast %parallel_loop3A_247 : vector<16x1xi32> to vector<16xi32>
        %parallel_loop3A_249 = tpu.dynamic_gather %parallel_loop3A_243[%parallel_loop3A_248] in [0] : vector<16xf32>, vector<16xi32> -> vector<16xf32>
        %parallel_loop3A_250 = arith.addf %parallel_loop3A_243, %parallel_loop3A_249 : vector<16xf32>
        %parallel_loop3A_251 = arith.constant 7.812500e-03 : f32
        %parallel_loop3A_252 = vector.broadcast %parallel_loop3A_251 : f32 to vector<16xf32>
        %parallel_loop3A_253 = arith.mulf %parallel_loop3A_250, %parallel_loop3A_252 : vector<16xf32>
        %parallel_loop3A_254 = tpu.iota {dimensions = array<i32: 0>} : vector<16xi32>
        %parallel_loop3A_255 = arith.constant 8 : i32
        %parallel_loop3A_256 = vector.broadcast %parallel_loop3A_255 : i32 to vector<16xi32>
        %parallel_loop3A_257 = arith.xori %parallel_loop3A_254, %parallel_loop3A_256 : vector<16xi32>
        %parallel_loop3A_258 = vector.shape_cast %parallel_loop3A_257 : vector<16xi32> to vector<16x1xi32>
        %parallel_loop3A_259 = vector.shape_cast %parallel_loop3A_258 : vector<16x1xi32> to vector<16xi32>
        %parallel_loop3A_260 = tpu.dynamic_gather %parallel_loop3A_221[%parallel_loop3A_259] in [0] : vector<16xf32>, vector<16xi32> -> vector<16xf32>
        %parallel_loop3A_261 = arith.addf %parallel_loop3A_221, %parallel_loop3A_260 : vector<16xf32>
        %parallel_loop3A_262 = arith.constant 4 : i32
        %parallel_loop3A_263 = vector.broadcast %parallel_loop3A_262 : i32 to vector<16xi32>
        %parallel_loop3A_264 = arith.xori %parallel_loop3A_254, %parallel_loop3A_263 : vector<16xi32>
        %parallel_loop3A_265 = vector.shape_cast %parallel_loop3A_264 : vector<16xi32> to vector<16x1xi32>
        %parallel_loop3A_266 = vector.shape_cast %parallel_loop3A_265 : vector<16x1xi32> to vector<16xi32>
        %parallel_loop3A_267 = tpu.dynamic_gather %parallel_loop3A_261[%parallel_loop3A_266] in [0] : vector<16xf32>, vector<16xi32> -> vector<16xf32>
        %parallel_loop3A_268 = arith.addf %parallel_loop3A_261, %parallel_loop3A_267 : vector<16xf32>
        %parallel_loop3A_269 = arith.constant 2 : i32
        %parallel_loop3A_270 = vector.broadcast %parallel_loop3A_269 : i32 to vector<16xi32>
        %parallel_loop3A_271 = arith.xori %parallel_loop3A_254, %parallel_loop3A_270 : vector<16xi32>
        %parallel_loop3A_272 = vector.shape_cast %parallel_loop3A_271 : vector<16xi32> to vector<16x1xi32>
        %parallel_loop3A_273 = vector.shape_cast %parallel_loop3A_272 : vector<16x1xi32> to vector<16xi32>
        %parallel_loop3A_274 = tpu.dynamic_gather %parallel_loop3A_268[%parallel_loop3A_273] in [0] : vector<16xf32>, vector<16xi32> -> vector<16xf32>
        %parallel_loop3A_275 = arith.addf %parallel_loop3A_268, %parallel_loop3A_274 : vector<16xf32>
        %parallel_loop3A_276 = arith.constant 1 : i32
        %parallel_loop3A_277 = vector.broadcast %parallel_loop3A_276 : i32 to vector<16xi32>
        %parallel_loop3A_278 = arith.xori %parallel_loop3A_254, %parallel_loop3A_277 : vector<16xi32>
        %parallel_loop3A_279 = vector.shape_cast %parallel_loop3A_278 : vector<16xi32> to vector<16x1xi32>
        %parallel_loop3A_280 = vector.shape_cast %parallel_loop3A_279 : vector<16x1xi32> to vector<16xi32>
        %parallel_loop3A_281 = tpu.dynamic_gather %parallel_loop3A_275[%parallel_loop3A_280] in [0] : vector<16xf32>, vector<16xi32> -> vector<16xf32>
        %parallel_loop3A_282 = arith.addf %parallel_loop3A_275, %parallel_loop3A_281 : vector<16xf32>
        %parallel_loop3A_283 = arith.constant 7.812500e-03 : f32
        %parallel_loop3A_284 = vector.broadcast %parallel_loop3A_283 : f32 to vector<16xf32>
        %parallel_loop3A_285 = arith.mulf %parallel_loop3A_282, %parallel_loop3A_284 : vector<16xf32>
        %parallel_loop3A_286 = arith.mulf %parallel_loop3A_253, %parallel_loop3A_253 : vector<16xf32>
        %parallel_loop3A_287 = arith.subf %parallel_loop3A_285, %parallel_loop3A_286 : vector<16xf32>
        %parallel_loop3A_288 = arith.constant 9.99999996E-13 : f32
        %parallel_loop3A_289 = vector.broadcast %parallel_loop3A_288 : f32 to vector<16xf32>
        %parallel_loop3A_290 = arith.addf %parallel_loop3A_287, %parallel_loop3A_289 : vector<16xf32>
        %parallel_loop3A_291 = tpu.bitcast %parallel_loop3A_290 : vector<16xf32> -> vector<16xi32>
        %parallel_loop3A_292 = arith.constant 1 : i32
        %parallel_loop3A_293 = vector.broadcast %parallel_loop3A_292 : i32 to vector<16xi32>
        %parallel_loop3A_294 = arith.shrui %parallel_loop3A_291, %parallel_loop3A_293 : vector<16xi32>
        %parallel_loop3A_295 = arith.constant 1597463007 : i32
        %parallel_loop3A_296 = vector.broadcast %parallel_loop3A_295 : i32 to vector<16xi32>
        %parallel_loop3A_297 = arith.subi %parallel_loop3A_296, %parallel_loop3A_294 : vector<16xi32>
        %parallel_loop3A_298 = tpu.bitcast %parallel_loop3A_297 : vector<16xi32> -> vector<16xf32>
        %parallel_loop3A_299 = arith.constant 5.000000e-01 : f32
        %parallel_loop3A_300 = vector.broadcast %parallel_loop3A_299 : f32 to vector<16xf32>
        %parallel_loop3A_301 = arith.mulf %parallel_loop3A_290, %parallel_loop3A_300 : vector<16xf32>
        %parallel_loop3A_302 = arith.mulf %parallel_loop3A_301, %parallel_loop3A_298 : vector<16xf32>
        %parallel_loop3A_303 = arith.mulf %parallel_loop3A_302, %parallel_loop3A_298 : vector<16xf32>
        %parallel_loop3A_304 = arith.constant 1.500000e+00 : f32
        %parallel_loop3A_305 = vector.broadcast %parallel_loop3A_304 : f32 to vector<16xf32>
        %parallel_loop3A_306 = arith.subf %parallel_loop3A_305, %parallel_loop3A_303 : vector<16xf32>
        %parallel_loop3A_307 = arith.mulf %parallel_loop3A_298, %parallel_loop3A_306 : vector<16xf32>
        %parallel_loop3A_308 = arith.subf %parallel_loop3A_171, %parallel_loop3A_253 : vector<16xf32>
        %parallel_loop3A_309 = arith.mulf %parallel_loop3A_308, %parallel_loop3A_307 : vector<16xf32>
        %parallel_loop3A_310 = arith.index_cast %parallel_loop3A_167 : i32 to index
        %parallel_loop3A_311 = arith.constant 0 : index
        %parallel_loop3A_312 = tpu.vector_load %arg7[%parallel_loop3A_310, %parallel_loop3A_311] {strides = array<i32>} : memref<128x128xf32, #tpu.memory_space<vmem>>, vector<1x16xf32>,
        %parallel_loop3A_313 = vector.shape_cast %parallel_loop3A_312 : vector<1x16xf32> to vector<16xf32>
        %parallel_loop3A_314 = vector.shape_cast %parallel_loop3A_309 : vector<16xf32> to vector<1x16xf32>
        tpu.vector_store %arg7[%parallel_loop3A_310, %parallel_loop3A_311], %parallel_loop3A_314 {strides = array<i32>} : memref<128x128xf32, #tpu.memory_space<vmem>>, vector<1x16xf32>,
        %parallel_loop3A_315 = arith.subf %parallel_loop3A_175, %parallel_loop3A_253 : vector<16xf32>
        %parallel_loop3A_316 = arith.mulf %parallel_loop3A_315, %parallel_loop3A_307 : vector<16xf32>
        %parallel_loop3A_317 = arith.index_cast %parallel_loop3A_167 : i32 to index
        %parallel_loop3A_318 = arith.constant 16 : index
        %parallel_loop3A_319 = tpu.vector_load %arg7[%parallel_loop3A_317, %parallel_loop3A_318] {strides = array<i32>} : memref<128x128xf32, #tpu.memory_space<vmem>>, vector<1x16xf32>,
        %parallel_loop3A_320 = vector.shape_cast %parallel_loop3A_319 : vector<1x16xf32> to vector<16xf32>
        %parallel_loop3A_321 = vector.shape_cast %parallel_loop3A_316 : vector<16xf32> to vector<1x16xf32>
        tpu.vector_store %arg7[%parallel_loop3A_317, %parallel_loop3A_318], %parallel_loop3A_321 {strides = array<i32>} : memref<128x128xf32, #tpu.memory_space<vmem>>, vector<1x16xf32>,
        %parallel_loop3A_322 = arith.subf %parallel_loop3A_179, %parallel_loop3A_253 : vector<16xf32>
        %parallel_loop3A_323 = arith.mulf %parallel_loop3A_322, %parallel_loop3A_307 : vector<16xf32>
        %parallel_loop3A_324 = arith.index_cast %parallel_loop3A_167 : i32 to index
        %parallel_loop3A_325 = arith.constant 32 : index
        %parallel_loop3A_326 = tpu.vector_load %arg7[%parallel_loop3A_324, %parallel_loop3A_325] {strides = array<i32>} : memref<128x128xf32, #tpu.memory_space<vmem>>, vector<1x16xf32>,
        %parallel_loop3A_327 = vector.shape_cast %parallel_loop3A_326 : vector<1x16xf32> to vector<16xf32>
        %parallel_loop3A_328 = vector.shape_cast %parallel_loop3A_323 : vector<16xf32> to vector<1x16xf32>
        tpu.vector_store %arg7[%parallel_loop3A_324, %parallel_loop3A_325], %parallel_loop3A_328 {strides = array<i32>} : memref<128x128xf32, #tpu.memory_space<vmem>>, vector<1x16xf32>,
        %parallel_loop3A_329 = arith.subf %parallel_loop3A_183, %parallel_loop3A_253 : vector<16xf32>
        %parallel_loop3A_330 = arith.mulf %parallel_loop3A_329, %parallel_loop3A_307 : vector<16xf32>
        %parallel_loop3A_331 = arith.index_cast %parallel_loop3A_167 : i32 to index
        %parallel_loop3A_332 = arith.constant 48 : index
        %parallel_loop3A_333 = tpu.vector_load %arg7[%parallel_loop3A_331, %parallel_loop3A_332] {strides = array<i32>} : memref<128x128xf32, #tpu.memory_space<vmem>>, vector<1x16xf32>,
        %parallel_loop3A_334 = vector.shape_cast %parallel_loop3A_333 : vector<1x16xf32> to vector<16xf32>
        %parallel_loop3A_335 = vector.shape_cast %parallel_loop3A_330 : vector<16xf32> to vector<1x16xf32>
        tpu.vector_store %arg7[%parallel_loop3A_331, %parallel_loop3A_332], %parallel_loop3A_335 {strides = array<i32>} : memref<128x128xf32, #tpu.memory_space<vmem>>, vector<1x16xf32>,
        %parallel_loop3A_336 = arith.subf %parallel_loop3A_187, %parallel_loop3A_253 : vector<16xf32>
        %parallel_loop3A_337 = arith.mulf %parallel_loop3A_336, %parallel_loop3A_307 : vector<16xf32>
        %parallel_loop3A_338 = arith.index_cast %parallel_loop3A_167 : i32 to index
        %parallel_loop3A_339 = arith.constant 64 : index
        %parallel_loop3A_340 = tpu.vector_load %arg7[%parallel_loop3A_338, %parallel_loop3A_339] {strides = array<i32>} : memref<128x128xf32, #tpu.memory_space<vmem>>, vector<1x16xf32>,
        %parallel_loop3A_341 = vector.shape_cast %parallel_loop3A_340 : vector<1x16xf32> to vector<16xf32>
        %parallel_loop3A_342 = vector.shape_cast %parallel_loop3A_337 : vector<16xf32> to vector<1x16xf32>
        tpu.vector_store %arg7[%parallel_loop3A_338, %parallel_loop3A_339], %parallel_loop3A_342 {strides = array<i32>} : memref<128x128xf32, #tpu.memory_space<vmem>>, vector<1x16xf32>,
        %parallel_loop3A_343 = arith.subf %parallel_loop3A_191, %parallel_loop3A_253 : vector<16xf32>
        %parallel_loop3A_344 = arith.mulf %parallel_loop3A_343, %parallel_loop3A_307 : vector<16xf32>
        %parallel_loop3A_345 = arith.index_cast %parallel_loop3A_167 : i32 to index
        %parallel_loop3A_346 = arith.constant 80 : index
        %parallel_loop3A_347 = tpu.vector_load %arg7[%parallel_loop3A_345, %parallel_loop3A_346] {strides = array<i32>} : memref<128x128xf32, #tpu.memory_space<vmem>>, vector<1x16xf32>,
        %parallel_loop3A_348 = vector.shape_cast %parallel_loop3A_347 : vector<1x16xf32> to vector<16xf32>
        %parallel_loop3A_349 = vector.shape_cast %parallel_loop3A_344 : vector<16xf32> to vector<1x16xf32>
        tpu.vector_store %arg7[%parallel_loop3A_345, %parallel_loop3A_346], %parallel_loop3A_349 {strides = array<i32>} : memref<128x128xf32, #tpu.memory_space<vmem>>, vector<1x16xf32>,
        %parallel_loop3A_350 = arith.subf %parallel_loop3A_195, %parallel_loop3A_253 : vector<16xf32>
        %parallel_loop3A_351 = arith.mulf %parallel_loop3A_350, %parallel_loop3A_307 : vector<16xf32>
        %parallel_loop3A_352 = arith.index_cast %parallel_loop3A_167 : i32 to index
        %parallel_loop3A_353 = arith.constant 96 : index
        %parallel_loop3A_354 = tpu.vector_load %arg7[%parallel_loop3A_352, %parallel_loop3A_353] {strides = array<i32>} : memref<128x128xf32, #tpu.memory_space<vmem>>, vector<1x16xf32>,
        %parallel_loop3A_355 = vector.shape_cast %parallel_loop3A_354 : vector<1x16xf32> to vector<16xf32>
        %parallel_loop3A_356 = vector.shape_cast %parallel_loop3A_351 : vector<16xf32> to vector<1x16xf32>
        tpu.vector_store %arg7[%parallel_loop3A_352, %parallel_loop3A_353], %parallel_loop3A_356 {strides = array<i32>} : memref<128x128xf32, #tpu.memory_space<vmem>>, vector<1x16xf32>,
        %parallel_loop3A_357 = arith.subf %parallel_loop3A_199, %parallel_loop3A_253 : vector<16xf32>
        %parallel_loop3A_358 = arith.mulf %parallel_loop3A_357, %parallel_loop3A_307 : vector<16xf32>
        %parallel_loop3A_359 = arith.index_cast %parallel_loop3A_167 : i32 to index
        %parallel_loop3A_360 = arith.constant 112 : index
        %parallel_loop3A_361 = tpu.vector_load %arg7[%parallel_loop3A_359, %parallel_loop3A_360] {strides = array<i32>} : memref<128x128xf32, #tpu.memory_space<vmem>>, vector<1x16xf32>,
        %parallel_loop3A_362 = vector.shape_cast %parallel_loop3A_361 : vector<1x16xf32> to vector<16xf32>
        %parallel_loop3A_363 = vector.shape_cast %parallel_loop3A_358 : vector<16xf32> to vector<1x16xf32>
        tpu.vector_store %arg7[%parallel_loop3A_359, %parallel_loop3A_360], %parallel_loop3A_363 {strides = array<i32>} : memref<128x128xf32, #tpu.memory_space<vmem>>, vector<1x16xf32>,
      } {sc.loop_unroll_factor = 4 : i64, sc.parallel_access}
      %add3A_148 = arith.constant 2 : i32
      %add3A_149 = arith.addi %add3A_127, %add3A_148 : i32
      %lt3A_150 = arith.constant 25 : i32
      %lt3A_151 = arith.cmpi slt, %add3A_149, %lt3A_150 : i32
      %convert_element_type3A_152 = arith.extui %lt3A_151 : i1 to i32
      %cond3A_153 = arith.constant 0 : i32
      %cond3A_154 = arith.cmpi ne, %convert_element_type3A_152, %cond3A_153 : i32
      scf.if %cond3A_154 {
        %add3A_167 = arith.constant 2 : i32
        %add3A_168 = arith.addi %add3A_127, %add3A_167 : i32
        %mul3A_169 = arith.constant 25 : i32
        %mul3A_170 = arith.muli %add3A, %mul3A_169 : i32
        %add3A_171 = arith.addi %mul3A_170, %add3A_168 : i32
        %mul3A_172 = arith.constant 128 : i32
        %mul3A_173 = arith.muli %add3A_171, %mul3A_172 : i32
        %min3A_174 = arith.constant 99872 : i32
        %min3A_175 = arith.minsi %mul3A_173, %min3A_174 : i32
        %dma_start3A_176 = arith.constant 0 : i32
        %dma_start3A_177 = tpu.memref_slice %arg2[%min3A_175, %dma_start3A_176] : memref<100000x128xf32, #tpu.memory_space<hbm>> -> memref<128x128xf32, #tpu.memory_space<hbm>>
        %dma_start3A_178 = arith.constant 0 : i32
        %dma_start3A_179 = tpu.memref_slice %arg2[%min3A_175, %dma_start3A_178] : memref<100000x128xf32, #tpu.memory_space<hbm>> -> memref<128x128xf32, #tpu.memory_space<hbm>>
        tpu.enqueue_dma source(%dma_start3A_179 : memref<128x128xf32, #tpu.memory_space<hbm>>) target(%arg5 : memref<128x128xf32, #tpu.memory_space<vmem>>) target_semaphore(%arg9 : memref<!tpu.dma_semaphore, #tpu.memory_space<semaphore_mem>>)
      } else {
      }
      %mul3A_155 = arith.constant 25 : i32
      %mul3A_156 = arith.muli %add3A, %mul3A_155 : i32
      %add3A_157 = arith.addi %mul3A_156, %add3A_127 : i32
      %mul3A_158 = arith.constant 128 : i32
      %mul3A_159 = arith.muli %add3A_157, %mul3A_158 : i32
      %min3A_160 = arith.constant 99872 : i32
      %min3A_161 = arith.minsi %mul3A_159, %min3A_160 : i32
      %dma_start3A_162 = arith.constant 0 : i32
      %dma_start3A_163 = tpu.memref_slice %arg3[%min3A_161, %dma_start3A_162] : memref<100000x128xf32, #tpu.memory_space<hbm>> -> memref<128x128xf32, #tpu.memory_space<hbm>>
      %dma_start3A_164 = arith.constant 0 : i32
      %dma_start3A_165 = tpu.memref_slice %arg3[%min3A_161, %dma_start3A_164] : memref<100000x128xf32, #tpu.memory_space<hbm>> -> memref<128x128xf32, #tpu.memory_space<hbm>>
      tpu.enqueue_dma source(%arg7 : memref<128x128xf32, #tpu.memory_space<vmem>>) target(%dma_start3A_165 : memref<128x128xf32, #tpu.memory_space<hbm>>) target_semaphore(%arg11 : memref<!tpu.dma_semaphore, #tpu.memory_space<semaphore_mem>>)
      %scan3A_166 = arith.constant 0 : i32
      scf.yield %scan3A_166 : i32
    }
    %scan3A_28 = arith.constant 12 : i32
    %mul3A_29 = arith.constant 25 : i32
    %mul3A_30 = arith.muli %add3A, %mul3A_29 : i32
    %add3A_31 = arith.constant 0 : i32
    %add3A_32 = arith.addi %mul3A_30, %add3A_31 : i32
    %mul3A_33 = arith.constant 128 : i32
    %mul3A_34 = arith.muli %add3A_32, %mul3A_33 : i32
    %min3A_35 = arith.constant 99872 : i32
    %min3A_36 = arith.minsi %mul3A_34, %min3A_35 : i32
    %dma_wait3A = arith.constant 0 : i32
    %dma_wait3A_37 = tpu.memref_slice %arg2[%min3A_36, %dma_wait3A] : memref<100000x128xf32, #tpu.memory_space<hbm>> -> memref<128x128xf32, #tpu.memory_space<hbm>>
    %dma_wait3A_38 = arith.constant 0 : i32
    %dma_wait3A_39 = tpu.memref_slice %arg2[%min3A_36, %dma_wait3A_38] : memref<100000x128xf32, #tpu.memory_space<hbm>> -> memref<128x128xf32, #tpu.memory_space<hbm>>
    tpu.wait_dma2 semaphore(%arg8 : memref<!tpu.dma_semaphore, #tpu.memory_space<semaphore_mem>>) src(%dma_wait3A_39 : memref<128x128xf32, #tpu.memory_space<hbm>>) dst(%arg4 : memref<128x128xf32, #tpu.memory_space<vmem>>)
    %gt3A = arith.constant 12 : i32
    %gt3A_40 = arith.constant 0 : i32
    %gt3A_41 = arith.cmpi sgt, %gt3A, %gt3A_40 : i32
    %convert_element_type3A = arith.extui %gt3A_41 : i1 to i32
    %cond3A = arith.constant 0 : i32
    %cond3A_42 = arith.cmpi ne, %convert_element_type3A, %cond3A : i32
    scf.if %cond3A_42 {
      %mul3A_81 = arith.constant 25 : i32
      %mul3A_82 = arith.muli %add3A, %mul3A_81 : i32
      %add3A_83 = arith.constant 0 : i32
      %add3A_84 = arith.addi %mul3A_82, %add3A_83 : i32
      %mul3A_85 = arith.constant 128 : i32
      %mul3A_86 = arith.muli %add3A_84, %mul3A_85 : i32
      %min3A_87 = arith.constant 99872 : i32
      %min3A_88 = arith.minsi %mul3A_86, %min3A_87 : i32
      %dma_wait3A_89 = arith.constant 0 : i32
      %dma_wait3A_90 = tpu.memref_slice %arg3[%min3A_88, %dma_wait3A_89] : memref<100000x128xf32, #tpu.memory_space<hbm>> -> memref<128x128xf32, #tpu.memory_space<hbm>>
      %dma_wait3A_91 = arith.constant 0 : i32
      %dma_wait3A_92 = tpu.memref_slice %arg3[%min3A_88, %dma_wait3A_91] : memref<100000x128xf32, #tpu.memory_space<hbm>> -> memref<128x128xf32, #tpu.memory_space<hbm>>
      tpu.wait_dma2 semaphore(%arg10 : memref<!tpu.dma_semaphore, #tpu.memory_space<semaphore_mem>>) src(%arg6 : memref<128x128xf32, #tpu.memory_space<vmem>>) dst(%dma_wait3A_92 : memref<128x128xf32, #tpu.memory_space<hbm>>)
    } else {
    }
    %parallel_loop3A = arith.constant 0 : i32
    %parallel_loop3A_43 = arith.constant 128 : i32
    %parallel_loop3A_44 = arith.constant 1 : i32
    scf.for %parallel_loop3A_81 = %parallel_loop3A to %parallel_loop3A_43 step %parallel_loop3A_44  : i32 {
      %parallel_loop3A_82 = arith.index_cast %parallel_loop3A_81 : i32 to index
      %parallel_loop3A_83 = arith.constant 0 : index
      %parallel_loop3A_84 = tpu.vector_load %arg4[%parallel_loop3A_82, %parallel_loop3A_83] {strides = array<i32>} : memref<128x128xf32, #tpu.memory_space<vmem>>, vector<1x16xf32>,
      %parallel_loop3A_85 = vector.shape_cast %parallel_loop3A_84 : vector<1x16xf32> to vector<16xf32>
      %parallel_loop3A_86 = arith.index_cast %parallel_loop3A_81 : i32 to index
      %parallel_loop3A_87 = arith.constant 16 : index
      %parallel_loop3A_88 = tpu.vector_load %arg4[%parallel_loop3A_86, %parallel_loop3A_87] {strides = array<i32>} : memref<128x128xf32, #tpu.memory_space<vmem>>, vector<1x16xf32>,
      %parallel_loop3A_89 = vector.shape_cast %parallel_loop3A_88 : vector<1x16xf32> to vector<16xf32>
      %parallel_loop3A_90 = arith.index_cast %parallel_loop3A_81 : i32 to index
      %parallel_loop3A_91 = arith.constant 32 : index
      %parallel_loop3A_92 = tpu.vector_load %arg4[%parallel_loop3A_90, %parallel_loop3A_91] {strides = array<i32>} : memref<128x128xf32, #tpu.memory_space<vmem>>, vector<1x16xf32>,
      %parallel_loop3A_93 = vector.shape_cast %parallel_loop3A_92 : vector<1x16xf32> to vector<16xf32>
      %parallel_loop3A_94 = arith.index_cast %parallel_loop3A_81 : i32 to index
      %parallel_loop3A_95 = arith.constant 48 : index
      %parallel_loop3A_96 = tpu.vector_load %arg4[%parallel_loop3A_94, %parallel_loop3A_95] {strides = array<i32>} : memref<128x128xf32, #tpu.memory_space<vmem>>, vector<1x16xf32>,
      %parallel_loop3A_97 = vector.shape_cast %parallel_loop3A_96 : vector<1x16xf32> to vector<16xf32>
      %parallel_loop3A_98 = arith.index_cast %parallel_loop3A_81 : i32 to index
      %parallel_loop3A_99 = arith.constant 64 : index
      %parallel_loop3A_100 = tpu.vector_load %arg4[%parallel_loop3A_98, %parallel_loop3A_99] {strides = array<i32>} : memref<128x128xf32, #tpu.memory_space<vmem>>, vector<1x16xf32>,
      %parallel_loop3A_101 = vector.shape_cast %parallel_loop3A_100 : vector<1x16xf32> to vector<16xf32>
      %parallel_loop3A_102 = arith.index_cast %parallel_loop3A_81 : i32 to index
      %parallel_loop3A_103 = arith.constant 80 : index
      %parallel_loop3A_104 = tpu.vector_load %arg4[%parallel_loop3A_102, %parallel_loop3A_103] {strides = array<i32>} : memref<128x128xf32, #tpu.memory_space<vmem>>, vector<1x16xf32>,
      %parallel_loop3A_105 = vector.shape_cast %parallel_loop3A_104 : vector<1x16xf32> to vector<16xf32>
      %parallel_loop3A_106 = arith.index_cast %parallel_loop3A_81 : i32 to index
      %parallel_loop3A_107 = arith.constant 96 : index
      %parallel_loop3A_108 = tpu.vector_load %arg4[%parallel_loop3A_106, %parallel_loop3A_107] {strides = array<i32>} : memref<128x128xf32, #tpu.memory_space<vmem>>, vector<1x16xf32>,
      %parallel_loop3A_109 = vector.shape_cast %parallel_loop3A_108 : vector<1x16xf32> to vector<16xf32>
      %parallel_loop3A_110 = arith.index_cast %parallel_loop3A_81 : i32 to index
      %parallel_loop3A_111 = arith.constant 112 : index
      %parallel_loop3A_112 = tpu.vector_load %arg4[%parallel_loop3A_110, %parallel_loop3A_111] {strides = array<i32>} : memref<128x128xf32, #tpu.memory_space<vmem>>, vector<1x16xf32>,
      %parallel_loop3A_113 = vector.shape_cast %parallel_loop3A_112 : vector<1x16xf32> to vector<16xf32>
      %parallel_loop3A_114 = arith.mulf %parallel_loop3A_85, %parallel_loop3A_85 : vector<16xf32>
      %parallel_loop3A_115 = arith.addf %parallel_loop3A_85, %parallel_loop3A_89 : vector<16xf32>
      %parallel_loop3A_116 = arith.mulf %parallel_loop3A_89, %parallel_loop3A_89 : vector<16xf32>
      %parallel_loop3A_117 = arith.addf %parallel_loop3A_114, %parallel_loop3A_116 : vector<16xf32>
      %parallel_loop3A_118 = arith.addf %parallel_loop3A_115, %parallel_loop3A_93 : vector<16xf32>
      %parallel_loop3A_119 = arith.mulf %parallel_loop3A_93, %parallel_loop3A_93 : vector<16xf32>
      %parallel_loop3A_120 = arith.addf %parallel_loop3A_117, %parallel_loop3A_119 : vector<16xf32>
      %parallel_loop3A_121 = arith.addf %parallel_loop3A_118, %parallel_loop3A_97 : vector<16xf32>
      %parallel_loop3A_122 = arith.mulf %parallel_loop3A_97, %parallel_loop3A_97 : vector<16xf32>
      %parallel_loop3A_123 = arith.addf %parallel_loop3A_120, %parallel_loop3A_122 : vector<16xf32>
      %parallel_loop3A_124 = arith.addf %parallel_loop3A_121, %parallel_loop3A_101 : vector<16xf32>
      %parallel_loop3A_125 = arith.mulf %parallel_loop3A_101, %parallel_loop3A_101 : vector<16xf32>
      %parallel_loop3A_126 = arith.addf %parallel_loop3A_123, %parallel_loop3A_125 : vector<16xf32>
      %parallel_loop3A_127 = arith.addf %parallel_loop3A_124, %parallel_loop3A_105 : vector<16xf32>
      %parallel_loop3A_128 = arith.mulf %parallel_loop3A_105, %parallel_loop3A_105 : vector<16xf32>
      %parallel_loop3A_129 = arith.addf %parallel_loop3A_126, %parallel_loop3A_128 : vector<16xf32>
      %parallel_loop3A_130 = arith.addf %parallel_loop3A_127, %parallel_loop3A_109 : vector<16xf32>
      %parallel_loop3A_131 = arith.mulf %parallel_loop3A_109, %parallel_loop3A_109 : vector<16xf32>
      %parallel_loop3A_132 = arith.addf %parallel_loop3A_129, %parallel_loop3A_131 : vector<16xf32>
      %parallel_loop3A_133 = arith.addf %parallel_loop3A_130, %parallel_loop3A_113 : vector<16xf32>
      %parallel_loop3A_134 = arith.mulf %parallel_loop3A_113, %parallel_loop3A_113 : vector<16xf32>
      %parallel_loop3A_135 = arith.addf %parallel_loop3A_132, %parallel_loop3A_134 : vector<16xf32>
      %parallel_loop3A_136 = tpu.iota {dimensions = array<i32: 0>} : vector<16xi32>
      %parallel_loop3A_137 = arith.constant 8 : i32
      %parallel_loop3A_138 = vector.broadcast %parallel_loop3A_137 : i32 to vector<16xi32>
      %parallel_loop3A_139 = arith.xori %parallel_loop3A_136, %parallel_loop3A_138 : vector<16xi32>
      %parallel_loop3A_140 = vector.shape_cast %parallel_loop3A_139 : vector<16xi32> to vector<16x1xi32>
      %parallel_loop3A_141 = vector.shape_cast %parallel_loop3A_140 : vector<16x1xi32> to vector<16xi32>
      %parallel_loop3A_142 = tpu.dynamic_gather %parallel_loop3A_133[%parallel_loop3A_141] in [0] : vector<16xf32>, vector<16xi32> -> vector<16xf32>
      %parallel_loop3A_143 = arith.addf %parallel_loop3A_133, %parallel_loop3A_142 : vector<16xf32>
      %parallel_loop3A_144 = arith.constant 4 : i32
      %parallel_loop3A_145 = vector.broadcast %parallel_loop3A_144 : i32 to vector<16xi32>
      %parallel_loop3A_146 = arith.xori %parallel_loop3A_136, %parallel_loop3A_145 : vector<16xi32>
      %parallel_loop3A_147 = vector.shape_cast %parallel_loop3A_146 : vector<16xi32> to vector<16x1xi32>
      %parallel_loop3A_148 = vector.shape_cast %parallel_loop3A_147 : vector<16x1xi32> to vector<16xi32>
      %parallel_loop3A_149 = tpu.dynamic_gather %parallel_loop3A_143[%parallel_loop3A_148] in [0] : vector<16xf32>, vector<16xi32> -> vector<16xf32>
      %parallel_loop3A_150 = arith.addf %parallel_loop3A_143, %parallel_loop3A_149 : vector<16xf32>
      %parallel_loop3A_151 = arith.constant 2 : i32
      %parallel_loop3A_152 = vector.broadcast %parallel_loop3A_151 : i32 to vector<16xi32>
      %parallel_loop3A_153 = arith.xori %parallel_loop3A_136, %parallel_loop3A_152 : vector<16xi32>
      %parallel_loop3A_154 = vector.shape_cast %parallel_loop3A_153 : vector<16xi32> to vector<16x1xi32>
      %parallel_loop3A_155 = vector.shape_cast %parallel_loop3A_154 : vector<16x1xi32> to vector<16xi32>
      %parallel_loop3A_156 = tpu.dynamic_gather %parallel_loop3A_150[%parallel_loop3A_155] in [0] : vector<16xf32>, vector<16xi32> -> vector<16xf32>
      %parallel_loop3A_157 = arith.addf %parallel_loop3A_150, %parallel_loop3A_156 : vector<16xf32>
      %parallel_loop3A_158 = arith.constant 1 : i32
      %parallel_loop3A_159 = vector.broadcast %parallel_loop3A_158 : i32 to vector<16xi32>
      %parallel_loop3A_160 = arith.xori %parallel_loop3A_136, %parallel_loop3A_159 : vector<16xi32>
      %parallel_loop3A_161 = vector.shape_cast %parallel_loop3A_160 : vector<16xi32> to vector<16x1xi32>
      %parallel_loop3A_162 = vector.shape_cast %parallel_loop3A_161 : vector<16x1xi32> to vector<16xi32>
      %parallel_loop3A_163 = tpu.dynamic_gather %parallel_loop3A_157[%parallel_loop3A_162] in [0] : vector<16xf32>, vector<16xi32> -> vector<16xf32>
      %parallel_loop3A_164 = arith.addf %parallel_loop3A_157, %parallel_loop3A_163 : vector<16xf32>
      %parallel_loop3A_165 = arith.constant 7.812500e-03 : f32
      %parallel_loop3A_166 = vector.broadcast %parallel_loop3A_165 : f32 to vector<16xf32>
      %parallel_loop3A_167 = arith.mulf %parallel_loop3A_164, %parallel_loop3A_166 : vector<16xf32>
      %parallel_loop3A_168 = tpu.iota {dimensions = array<i32: 0>} : vector<16xi32>
      %parallel_loop3A_169 = arith.constant 8 : i32
      %parallel_loop3A_170 = vector.broadcast %parallel_loop3A_169 : i32 to vector<16xi32>
      %parallel_loop3A_171 = arith.xori %parallel_loop3A_168, %parallel_loop3A_170 : vector<16xi32>
      %parallel_loop3A_172 = vector.shape_cast %parallel_loop3A_171 : vector<16xi32> to vector<16x1xi32>
      %parallel_loop3A_173 = vector.shape_cast %parallel_loop3A_172 : vector<16x1xi32> to vector<16xi32>
      %parallel_loop3A_174 = tpu.dynamic_gather %parallel_loop3A_135[%parallel_loop3A_173] in [0] : vector<16xf32>, vector<16xi32> -> vector<16xf32>
      %parallel_loop3A_175 = arith.addf %parallel_loop3A_135, %parallel_loop3A_174 : vector<16xf32>
      %parallel_loop3A_176 = arith.constant 4 : i32
      %parallel_loop3A_177 = vector.broadcast %parallel_loop3A_176 : i32 to vector<16xi32>
      %parallel_loop3A_178 = arith.xori %parallel_loop3A_168, %parallel_loop3A_177 : vector<16xi32>
      %parallel_loop3A_179 = vector.shape_cast %parallel_loop3A_178 : vector<16xi32> to vector<16x1xi32>
      %parallel_loop3A_180 = vector.shape_cast %parallel_loop3A_179 : vector<16x1xi32> to vector<16xi32>
      %parallel_loop3A_181 = tpu.dynamic_gather %parallel_loop3A_175[%parallel_loop3A_180] in [0] : vector<16xf32>, vector<16xi32> -> vector<16xf32>
      %parallel_loop3A_182 = arith.addf %parallel_loop3A_175, %parallel_loop3A_181 : vector<16xf32>
      %parallel_loop3A_183 = arith.constant 2 : i32
      %parallel_loop3A_184 = vector.broadcast %parallel_loop3A_183 : i32 to vector<16xi32>
      %parallel_loop3A_185 = arith.xori %parallel_loop3A_168, %parallel_loop3A_184 : vector<16xi32>
      %parallel_loop3A_186 = vector.shape_cast %parallel_loop3A_185 : vector<16xi32> to vector<16x1xi32>
      %parallel_loop3A_187 = vector.shape_cast %parallel_loop3A_186 : vector<16x1xi32> to vector<16xi32>
      %parallel_loop3A_188 = tpu.dynamic_gather %parallel_loop3A_182[%parallel_loop3A_187] in [0] : vector<16xf32>, vector<16xi32> -> vector<16xf32>
      %parallel_loop3A_189 = arith.addf %parallel_loop3A_182, %parallel_loop3A_188 : vector<16xf32>
      %parallel_loop3A_190 = arith.constant 1 : i32
      %parallel_loop3A_191 = vector.broadcast %parallel_loop3A_190 : i32 to vector<16xi32>
      %parallel_loop3A_192 = arith.xori %parallel_loop3A_168, %parallel_loop3A_191 : vector<16xi32>
      %parallel_loop3A_193 = vector.shape_cast %parallel_loop3A_192 : vector<16xi32> to vector<16x1xi32>
      %parallel_loop3A_194 = vector.shape_cast %parallel_loop3A_193 : vector<16x1xi32> to vector<16xi32>
      %parallel_loop3A_195 = tpu.dynamic_gather %parallel_loop3A_189[%parallel_loop3A_194] in [0] : vector<16xf32>, vector<16xi32> -> vector<16xf32>
      %parallel_loop3A_196 = arith.addf %parallel_loop3A_189, %parallel_loop3A_195 : vector<16xf32>
      %parallel_loop3A_197 = arith.constant 7.812500e-03 : f32
      %parallel_loop3A_198 = vector.broadcast %parallel_loop3A_197 : f32 to vector<16xf32>
      %parallel_loop3A_199 = arith.mulf %parallel_loop3A_196, %parallel_loop3A_198 : vector<16xf32>
      %parallel_loop3A_200 = arith.mulf %parallel_loop3A_167, %parallel_loop3A_167 : vector<16xf32>
      %parallel_loop3A_201 = arith.subf %parallel_loop3A_199, %parallel_loop3A_200 : vector<16xf32>
      %parallel_loop3A_202 = arith.constant 9.99999996E-13 : f32
      %parallel_loop3A_203 = vector.broadcast %parallel_loop3A_202 : f32 to vector<16xf32>
      %parallel_loop3A_204 = arith.addf %parallel_loop3A_201, %parallel_loop3A_203 : vector<16xf32>
      %parallel_loop3A_205 = tpu.bitcast %parallel_loop3A_204 : vector<16xf32> -> vector<16xi32>
      %parallel_loop3A_206 = arith.constant 1 : i32
      %parallel_loop3A_207 = vector.broadcast %parallel_loop3A_206 : i32 to vector<16xi32>
      %parallel_loop3A_208 = arith.shrui %parallel_loop3A_205, %parallel_loop3A_207 : vector<16xi32>
      %parallel_loop3A_209 = arith.constant 1597463007 : i32
      %parallel_loop3A_210 = vector.broadcast %parallel_loop3A_209 : i32 to vector<16xi32>
      %parallel_loop3A_211 = arith.subi %parallel_loop3A_210, %parallel_loop3A_208 : vector<16xi32>
      %parallel_loop3A_212 = tpu.bitcast %parallel_loop3A_211 : vector<16xi32> -> vector<16xf32>
      %parallel_loop3A_213 = arith.constant 5.000000e-01 : f32
      %parallel_loop3A_214 = vector.broadcast %parallel_loop3A_213 : f32 to vector<16xf32>
      %parallel_loop3A_215 = arith.mulf %parallel_loop3A_204, %parallel_loop3A_214 : vector<16xf32>
      %parallel_loop3A_216 = arith.mulf %parallel_loop3A_215, %parallel_loop3A_212 : vector<16xf32>
      %parallel_loop3A_217 = arith.mulf %parallel_loop3A_216, %parallel_loop3A_212 : vector<16xf32>
      %parallel_loop3A_218 = arith.constant 1.500000e+00 : f32
      %parallel_loop3A_219 = vector.broadcast %parallel_loop3A_218 : f32 to vector<16xf32>
      %parallel_loop3A_220 = arith.subf %parallel_loop3A_219, %parallel_loop3A_217 : vector<16xf32>
      %parallel_loop3A_221 = arith.mulf %parallel_loop3A_212, %parallel_loop3A_220 : vector<16xf32>
      %parallel_loop3A_222 = arith.subf %parallel_loop3A_85, %parallel_loop3A_167 : vector<16xf32>
      %parallel_loop3A_223 = arith.mulf %parallel_loop3A_222, %parallel_loop3A_221 : vector<16xf32>
      %parallel_loop3A_224 = arith.index_cast %parallel_loop3A_81 : i32 to index
      %parallel_loop3A_225 = arith.constant 0 : index
      %parallel_loop3A_226 = tpu.vector_load %arg6[%parallel_loop3A_224, %parallel_loop3A_225] {strides = array<i32>} : memref<128x128xf32, #tpu.memory_space<vmem>>, vector<1x16xf32>,
      %parallel_loop3A_227 = vector.shape_cast %parallel_loop3A_226 : vector<1x16xf32> to vector<16xf32>
      %parallel_loop3A_228 = vector.shape_cast %parallel_loop3A_223 : vector<16xf32> to vector<1x16xf32>
      tpu.vector_store %arg6[%parallel_loop3A_224, %parallel_loop3A_225], %parallel_loop3A_228 {strides = array<i32>} : memref<128x128xf32, #tpu.memory_space<vmem>>, vector<1x16xf32>,
      %parallel_loop3A_229 = arith.subf %parallel_loop3A_89, %parallel_loop3A_167 : vector<16xf32>
      %parallel_loop3A_230 = arith.mulf %parallel_loop3A_229, %parallel_loop3A_221 : vector<16xf32>
      %parallel_loop3A_231 = arith.index_cast %parallel_loop3A_81 : i32 to index
      %parallel_loop3A_232 = arith.constant 16 : index
      %parallel_loop3A_233 = tpu.vector_load %arg6[%parallel_loop3A_231, %parallel_loop3A_232] {strides = array<i32>} : memref<128x128xf32, #tpu.memory_space<vmem>>, vector<1x16xf32>,
      %parallel_loop3A_234 = vector.shape_cast %parallel_loop3A_233 : vector<1x16xf32> to vector<16xf32>
      %parallel_loop3A_235 = vector.shape_cast %parallel_loop3A_230 : vector<16xf32> to vector<1x16xf32>
      tpu.vector_store %arg6[%parallel_loop3A_231, %parallel_loop3A_232], %parallel_loop3A_235 {strides = array<i32>} : memref<128x128xf32, #tpu.memory_space<vmem>>, vector<1x16xf32>,
      %parallel_loop3A_236 = arith.subf %parallel_loop3A_93, %parallel_loop3A_167 : vector<16xf32>
      %parallel_loop3A_237 = arith.mulf %parallel_loop3A_236, %parallel_loop3A_221 : vector<16xf32>
      %parallel_loop3A_238 = arith.index_cast %parallel_loop3A_81 : i32 to index
      %parallel_loop3A_239 = arith.constant 32 : index
      %parallel_loop3A_240 = tpu.vector_load %arg6[%parallel_loop3A_238, %parallel_loop3A_239] {strides = array<i32>} : memref<128x128xf32, #tpu.memory_space<vmem>>, vector<1x16xf32>,
      %parallel_loop3A_241 = vector.shape_cast %parallel_loop3A_240 : vector<1x16xf32> to vector<16xf32>
      %parallel_loop3A_242 = vector.shape_cast %parallel_loop3A_237 : vector<16xf32> to vector<1x16xf32>
      tpu.vector_store %arg6[%parallel_loop3A_238, %parallel_loop3A_239], %parallel_loop3A_242 {strides = array<i32>} : memref<128x128xf32, #tpu.memory_space<vmem>>, vector<1x16xf32>,
      %parallel_loop3A_243 = arith.subf %parallel_loop3A_97, %parallel_loop3A_167 : vector<16xf32>
      %parallel_loop3A_244 = arith.mulf %parallel_loop3A_243, %parallel_loop3A_221 : vector<16xf32>
      %parallel_loop3A_245 = arith.index_cast %parallel_loop3A_81 : i32 to index
      %parallel_loop3A_246 = arith.constant 48 : index
      %parallel_loop3A_247 = tpu.vector_load %arg6[%parallel_loop3A_245, %parallel_loop3A_246] {strides = array<i32>} : memref<128x128xf32, #tpu.memory_space<vmem>>, vector<1x16xf32>,
      %parallel_loop3A_248 = vector.shape_cast %parallel_loop3A_247 : vector<1x16xf32> to vector<16xf32>
      %parallel_loop3A_249 = vector.shape_cast %parallel_loop3A_244 : vector<16xf32> to vector<1x16xf32>
      tpu.vector_store %arg6[%parallel_loop3A_245, %parallel_loop3A_246], %parallel_loop3A_249 {strides = array<i32>} : memref<128x128xf32, #tpu.memory_space<vmem>>, vector<1x16xf32>,
      %parallel_loop3A_250 = arith.subf %parallel_loop3A_101, %parallel_loop3A_167 : vector<16xf32>
      %parallel_loop3A_251 = arith.mulf %parallel_loop3A_250, %parallel_loop3A_221 : vector<16xf32>
      %parallel_loop3A_252 = arith.index_cast %parallel_loop3A_81 : i32 to index
      %parallel_loop3A_253 = arith.constant 64 : index
      %parallel_loop3A_254 = tpu.vector_load %arg6[%parallel_loop3A_252, %parallel_loop3A_253] {strides = array<i32>} : memref<128x128xf32, #tpu.memory_space<vmem>>, vector<1x16xf32>,
      %parallel_loop3A_255 = vector.shape_cast %parallel_loop3A_254 : vector<1x16xf32> to vector<16xf32>
      %parallel_loop3A_256 = vector.shape_cast %parallel_loop3A_251 : vector<16xf32> to vector<1x16xf32>
      tpu.vector_store %arg6[%parallel_loop3A_252, %parallel_loop3A_253], %parallel_loop3A_256 {strides = array<i32>} : memref<128x128xf32, #tpu.memory_space<vmem>>, vector<1x16xf32>,
      %parallel_loop3A_257 = arith.subf %parallel_loop3A_105, %parallel_loop3A_167 : vector<16xf32>
      %parallel_loop3A_258 = arith.mulf %parallel_loop3A_257, %parallel_loop3A_221 : vector<16xf32>
      %parallel_loop3A_259 = arith.index_cast %parallel_loop3A_81 : i32 to index
      %parallel_loop3A_260 = arith.constant 80 : index
      %parallel_loop3A_261 = tpu.vector_load %arg6[%parallel_loop3A_259, %parallel_loop3A_260] {strides = array<i32>} : memref<128x128xf32, #tpu.memory_space<vmem>>, vector<1x16xf32>,
      %parallel_loop3A_262 = vector.shape_cast %parallel_loop3A_261 : vector<1x16xf32> to vector<16xf32>
      %parallel_loop3A_263 = vector.shape_cast %parallel_loop3A_258 : vector<16xf32> to vector<1x16xf32>
      tpu.vector_store %arg6[%parallel_loop3A_259, %parallel_loop3A_260], %parallel_loop3A_263 {strides = array<i32>} : memref<128x128xf32, #tpu.memory_space<vmem>>, vector<1x16xf32>,
      %parallel_loop3A_264 = arith.subf %parallel_loop3A_109, %parallel_loop3A_167 : vector<16xf32>
      %parallel_loop3A_265 = arith.mulf %parallel_loop3A_264, %parallel_loop3A_221 : vector<16xf32>
      %parallel_loop3A_266 = arith.index_cast %parallel_loop3A_81 : i32 to index
      %parallel_loop3A_267 = arith.constant 96 : index
      %parallel_loop3A_268 = tpu.vector_load %arg6[%parallel_loop3A_266, %parallel_loop3A_267] {strides = array<i32>} : memref<128x128xf32, #tpu.memory_space<vmem>>, vector<1x16xf32>,
      %parallel_loop3A_269 = vector.shape_cast %parallel_loop3A_268 : vector<1x16xf32> to vector<16xf32>
      %parallel_loop3A_270 = vector.shape_cast %parallel_loop3A_265 : vector<16xf32> to vector<1x16xf32>
      tpu.vector_store %arg6[%parallel_loop3A_266, %parallel_loop3A_267], %parallel_loop3A_270 {strides = array<i32>} : memref<128x128xf32, #tpu.memory_space<vmem>>, vector<1x16xf32>,
      %parallel_loop3A_271 = arith.subf %parallel_loop3A_113, %parallel_loop3A_167 : vector<16xf32>
      %parallel_loop3A_272 = arith.mulf %parallel_loop3A_271, %parallel_loop3A_221 : vector<16xf32>
      %parallel_loop3A_273 = arith.index_cast %parallel_loop3A_81 : i32 to index
      %parallel_loop3A_274 = arith.constant 112 : index
      %parallel_loop3A_275 = tpu.vector_load %arg6[%parallel_loop3A_273, %parallel_loop3A_274] {strides = array<i32>} : memref<128x128xf32, #tpu.memory_space<vmem>>, vector<1x16xf32>,
      %parallel_loop3A_276 = vector.shape_cast %parallel_loop3A_275 : vector<1x16xf32> to vector<16xf32>
      %parallel_loop3A_277 = vector.shape_cast %parallel_loop3A_272 : vector<16xf32> to vector<1x16xf32>
      tpu.vector_store %arg6[%parallel_loop3A_273, %parallel_loop3A_274], %parallel_loop3A_277 {strides = array<i32>} : memref<128x128xf32, #tpu.memory_space<vmem>>, vector<1x16xf32>,
    } {sc.loop_unroll_factor = 4 : i64, sc.parallel_access}
    %mul3A_45 = arith.constant 25 : i32
    %mul3A_46 = arith.muli %add3A, %mul3A_45 : i32
    %add3A_47 = arith.constant 24 : i32
    %add3A_48 = arith.addi %mul3A_46, %add3A_47 : i32
    %mul3A_49 = arith.constant 128 : i32
    %mul3A_50 = arith.muli %add3A_48, %mul3A_49 : i32
    %min3A_51 = arith.constant 99872 : i32
    %min3A_52 = arith.minsi %mul3A_50, %min3A_51 : i32
    %dma_start3A_53 = arith.constant 0 : i32
    %dma_start3A_54 = tpu.memref_slice %arg3[%min3A_52, %dma_start3A_53] : memref<100000x128xf32, #tpu.memory_space<hbm>> -> memref<128x128xf32, #tpu.memory_space<hbm>>
    %dma_start3A_55 = arith.constant 0 : i32
    %dma_start3A_56 = tpu.memref_slice %arg3[%min3A_52, %dma_start3A_55] : memref<100000x128xf32, #tpu.memory_space<hbm>> -> memref<128x128xf32, #tpu.memory_space<hbm>>
    tpu.enqueue_dma source(%arg6 : memref<128x128xf32, #tpu.memory_space<vmem>>) target(%dma_start3A_56 : memref<128x128xf32, #tpu.memory_space<hbm>>) target_semaphore(%arg10 : memref<!tpu.dma_semaphore, #tpu.memory_space<semaphore_mem>>)
    %mul3A_57 = arith.constant 25 : i32
    %mul3A_58 = arith.muli %add3A, %mul3A_57 : i32
    %add3A_59 = arith.constant 0 : i32
    %add3A_60 = arith.addi %mul3A_58, %add3A_59 : i32
    %mul3A_61 = arith.constant 128 : i32
    %mul3A_62 = arith.muli %add3A_60, %mul3A_61 : i32
    %min3A_63 = arith.constant 99872 : i32
    %min3A_64 = arith.minsi %mul3A_62, %min3A_63 : i32
    %dma_wait3A_65 = arith.constant 0 : i32
    %dma_wait3A_66 = tpu.memref_slice %arg3[%min3A_64, %dma_wait3A_65] : memref<100000x128xf32, #tpu.memory_space<hbm>> -> memref<128x128xf32, #tpu.memory_space<hbm>>
    %dma_wait3A_67 = arith.constant 0 : i32
    %dma_wait3A_68 = tpu.memref_slice %arg3[%min3A_64, %dma_wait3A_67] : memref<100000x128xf32, #tpu.memory_space<hbm>> -> memref<128x128xf32, #tpu.memory_space<hbm>>
    tpu.wait_dma2 semaphore(%arg10 : memref<!tpu.dma_semaphore, #tpu.memory_space<semaphore_mem>>) src(%arg6 : memref<128x128xf32, #tpu.memory_space<vmem>>) dst(%dma_wait3A_68 : memref<128x128xf32, #tpu.memory_space<hbm>>)
    %mul3A_69 = arith.constant 25 : i32
    %mul3A_70 = arith.muli %add3A, %mul3A_69 : i32
    %add3A_71 = arith.constant 0 : i32
    %add3A_72 = arith.addi %mul3A_70, %add3A_71 : i32
    %mul3A_73 = arith.constant 128 : i32
    %mul3A_74 = arith.muli %add3A_72, %mul3A_73 : i32
    %min3A_75 = arith.constant 99872 : i32
    %min3A_76 = arith.minsi %mul3A_74, %min3A_75 : i32
    %dma_wait3A_77 = arith.constant 0 : i32
    %dma_wait3A_78 = tpu.memref_slice %arg3[%min3A_76, %dma_wait3A_77] : memref<100000x128xf32, #tpu.memory_space<hbm>> -> memref<128x128xf32, #tpu.memory_space<hbm>>
    %dma_wait3A_79 = arith.constant 0 : i32
    %dma_wait3A_80 = tpu.memref_slice %arg3[%min3A_76, %dma_wait3A_79] : memref<100000x128xf32, #tpu.memory_space<hbm>> -> memref<128x128xf32, #tpu.memory_space<hbm>>
    tpu.wait_dma2 semaphore(%arg11 : memref<!tpu.dma_semaphore, #tpu.memory_space<semaphore_mem>>) src(%arg7 : memref<128x128xf32, #tpu.memory_space<vmem>>) dst(%dma_wait3A_80 : memref<128x128xf32, #tpu.memory_space<hbm>>)
    return
  }
}

</mosaic_0001>

<sc_bundles>
// kernel: _sc_normalize_table.3.cloned.1.call-start
scs
__scs_entry_jumppad:
0x0: {  	(pc) =	sbr.rel $0x88, $3  }
0x1: {  	(tag) =	ssettag $0x0;
	lr =	simm.s32 $0x1  }
0x2: {  	[smem:$0x3FA0] =	sst lr;
	_ =	strace $0xD0000000  }
0x3: {  	_ = 	snop  }
0x4: {  	_ = 	snop  }
0x5: {  	_ = 	snop  }
0x6: {  	_ = 	snop  }
0x7: {  	_ = 	snop  }
__scs_overlays_trampoline_lowered:
0x8: {  	[smem:$0x3FAF] =	sst s0  }
0x9: {  	[smem:$0x3FB0] =	sst s1  }
0xa: {  	[smem:$0x3FB1] =	sst s2  }
0xb: {  	[smem:$0x3FB2] =	sst s3  }
0xc: {  	[smem:$0x3FB3] =	sst s4  }
0xd: {  	[smem:$0x3FB4] =	sst s5  }
0xe: {  	[smem:$0x3FB5] =	sst s6  }
0xf: {  	[smem:$0x3FB6] =	sst s7  }
0x10: {  	[smem:$0x3FB7] =	sst s8  }
0x11: {  	[smem:$0x3FB8] =	sst s9;
	s0 =	simm.s32 @!p0 $0x0  }
0x12: {  	s1 =	sld [smem:$0x3F9E];
	s0 =	simm.s32 @p0 $0x1  }
0x13: {  	[smem:$0x3FB9] =	sst s0;
	s0 =	simm.s32 @!p1 $0x0  }
0x14: {  	s2 =	sld [smem:$0x3F9D];
	s0 =	simm.s32 @p1 $0x1  }
0x15: {  	[smem:$0x3FBA] =	sst s0;
	s0 =	simm.s32 @!p2 $0x0  }
0x16: {  	s3 =	sld [smem:$0x3FDB];
	s0 =	simm.s32 @p2 $0x1  }
0x17: {  	s4 =	simm.s32 $0x1BF5;
	[smem:$0x3FBC] =	sst s0  }
0x18: {  	s0 =	sld [smem:$0x3F9F];
	_ =	swait.ge [sflag:s4], $0x0  }
0x19: {  	s7 =	sld [smem:$0x3FA0]  }
0x1a: {  	s8 =	sadd.s32 $0xFFFFE003, lr  }
0x1b: {  	s9 =	sadd.s32 $0xFFFFFEF7, lr;
	s5 =	simm.s32 $0xFFFFFFFF;
	p2 =	slt.u32 s8, $0xFFFFF086  }
0x1c: {  	p1 =	slt.u32 s9, $0xF7A;
	s5 =	simm.s32 @!p2 $0x0  }
0x1d: {  	s5 =	simm.s32 @p1 $0x1;
	p0 =	seq.s32 s7, s2  }
0x1e: {  	s7 =	smul.u32 @!p0 $0xF7A, s2;
	p2 =	seq.s32 @!p0 s5, $0x0  }
0x1f: {  	s9 =	smul.u32 $0xF7A, s1;
	s8 =	simm.s32 @!p0 $0x1BF5;
	p2 =	por !p2, p0  }
0x20: {  	[sflag:s8] =	ssyncset.s32 @!p0 $0xFFFFF086;
	s6 =	sadd.s32 @!p0 s3, s7;
	s7 =	simm.s32 @!p0 $0x108  }
0x21: {  	s3 =	sadd.s32 s3, s9;
	s6 =	sadd.s32 @!p0 $0x88, s6;
	s7 =	simm.s32 @p2 $0x1082  }
0x22: {  	[simem:s7], [sflag:s8] =	dma.local @!p0 [hbm:s6], $0xF7A  }
0x23: {  	s9 =	sor.u32 $0xD0000000, s2;
	s6 =	simm.s32 $0x108;
	_ =	swait.ge @!p0 [sflag:s8], $0x0  }
0x24: {  	s3 =	sadd.s32 $0x88, s3;
	s6 =	simm.s32 @!p1 $0x1082;
	[sflag:s4] =	ssyncset.s32 $0xFFFFF086  }
0x25: {  	[simem:s6], [sflag:s4] =	dma.local [hbm:s3], $0xF7A  }
0x26: {  	[smem:$0x3FA0] =	sst s1;
	(tag) =	ssettag s2;
	_ =	strace s9  }
0x27: {  	s1 =	sld [smem:$0x3FB0]  }
0x28: {  	s2 =	sld [smem:$0x3FB1]  }
0x29: {  	s4 =	sld [smem:$0x3FB3]  }
0x2a: {  	p0 =	seq.s32 s5, $0x0;
	s5 =	sld [smem:$0x3FB4]  }
0x2b: {  	s6 =	sld [smem:$0x3FB5]  }
0x2c: {  	s7 =	sld [smem:$0x3FB6]  }
0x2d: {  	s3 =	simm.s32 $0x108;
	s8 =	sld [smem:$0x3FB7]  }
0x2e: {  	s3 =	simm.s32 @!p0 $0x1082;
	s9 =	sld [smem:$0x3FB8]  }
0x2f: {  	lr =	sadd.s32 s0, s3;
	s0 =	sld [smem:$0x3FAF]  }
0x30: {  	s3 =	sld [smem:$0x3FB2]  }
0x31: {  	[smem:$0x3FBB] =	sst s10  }
0x32: {  	s10 =	sld [smem:$0x3FB9];
	_ =	sdelay $0x3  }
0x33: {  	p0 =	seq.s32 s10, $0x1;
	s10 =	sld [smem:$0x3FBB];
	_ =	sdelay $0x3  }
0x34: {  	[smem:$0x3FBB] =	sst s10  }
0x35: {  	s10 =	sld [smem:$0x3FBA];
	_ =	sdelay $0x3  }
0x36: {  	p1 =	seq.s32 s10, $0x1;
	s10 =	sld [smem:$0x3FBB];
	_ =	sdelay $0x3  }
0x37: {  	[smem:$0x3FBB] =	sst s10  }
0x38: {  	s10 =	sld [smem:$0x3FBC]  }
0x39: {  	_ = 	snop;
	(pc) =	sbr.ind lr, $3  }
0x3a: {  	_ = 	snop  }
0x3b: {  	_ = 	snop  }
0x3c: {  	p2 =	seq.s32 s10, $0x1;
	s10 =	sld [smem:$0x3FBB]  }
0x3d: {  	_ =	shalt  }
0x3e: {  	_ =	shalt  }
0x3f: {  	_ =	shalt  }
0x40: {  	_ =	shalt  }
0x41: {  	_ =	shalt  }
0x42: {  	_ =	shalt  }
0x43: {  	_ =	shalt  }
0x44: {  	_ =	shalt  }
0x45: {  	_ =	shalt  }
0x46: {  	_ =	shalt  }
0x47: {  	_ =	shalt  }
0x48: {  	_ =	shalt  }
0x49: {  	_ =	shalt  }
0x4a: {  	_ =	shalt  }
0x4b: {  	_ =	shalt  }
0x4c: {  	_ =	shalt  }
0x4d: {  	_ =	shalt  }
0x4e: {  	_ =	shalt  }
0x4f: {  	_ =	shalt  }
0x50: {  	_ =	shalt  }
0x51: {  	_ =	shalt  }
0x52: {  	_ =	shalt  }
0x53: {  	_ =	shalt  }
0x54: {  	_ =	shalt  }
0x55: {  	_ =	shalt  }
0x56: {  	_ =	shalt  }
0x57: {  	_ =	shalt  }
0x58: {  	_ =	shalt  }
0x59: {  	_ =	shalt  }
0x5a: {  	_ =	shalt  }
0x5b: {  	_ =	shalt  }
0x5c: {  	_ =	shalt  }
0x5d: {  	_ =	shalt  }
0x5e: {  	_ =	shalt  }
0x5f: {  	_ =	shalt  }
0x60: {  	_ =	shalt  }
0x61: {  	_ =	shalt  }
0x62: {  	_ =	shalt  }
0x63: {  	_ =	shalt  }
0x64: {  	_ =	shalt  }
0x65: {  	_ =	shalt  }
0x66: {  	_ =	shalt  }
0x67: {  	_ =	shalt  }
0x68: {  	_ =	shalt  }
0x69: {  	_ =	shalt  }
0x6a: {  	_ =	shalt  }
0x6b: {  	_ =	shalt  }
0x6c: {  	_ =	shalt  }
0x6d: {  	_ =	shalt  }
0x6e: {  	_ =	shalt  }
0x6f: {  	_ =	shalt  }
0x70: {  	_ =	shalt  }
0x71: {  	_ =	shalt  }
0x72: {  	_ =	shalt  }
0x73: {  	_ =	shalt  }
0x74: {  	_ =	shalt  }
0x75: {  	_ =	shalt  }
0x76: {  	_ =	shalt  }
0x77: {  	_ =	shalt  }
0x78: {  	_ =	shalt  }
0x79: {  	_ =	shalt  }
0x7a: {  	_ =	shalt  }
0x7b: {  	_ =	shalt  }
0x7c: {  	_ =	shalt  }
0x7d: {  	_ =	shalt  }
0x7e: {  	_ =	shalt  }
0x7f: {  	_ =	shalt  }
0x80: {  	_ =	shalt  }
0x81: {  	_ =	shalt  }
0x82: {  	_ =	shalt  }
0x83: {  	_ =	shalt  }
0x84: {  	_ =	shalt  }
0x85: {  	_ =	shalt  }
0x86: {  	_ =	shalt  }
0x87: {  	_ =	shalt  }
.Lfunc_end0:
.L_simem_size_0:
called_computation_lowered:
.L_overlay_start_0:
0x88: {  	s2 =	sld [smem:$0x3FD9]  }
0x89: {  	s3 =	sld [smem:$0x3FFE];
	_ =	sdelay $0x1  }
0x8a: {  	s1 =	srdreg.scid  }
0x8b: {  	s0 =	sand.u32 $0x1, s1  }
0x8c: {  	s18 =	sshll.u32 s0, $0xA;
	s2 =	sadd.s32 s3, s2  }
0x8d: {  	s2 =	sadd.s32 s2, s18  }
0x8e: {  	[smem:$0x3FC7] =	sst s2  }
0x8f: {  	_ = 	snop  }
0x90: {  	s2 =	sld [smem:$0x3FC9]  }
0x91: {  	s19 =	sld [smem:$0x3FD0];
	(tm) =	ssettm $0x1  }
0x92: {  	s4 =	sld [smem:$0x3FFB];
	_ =	sdelay $0x3  }
0x93: {  	_ =	strace s4  }
0x94: {  	s4 =	sld [smem:$0x3FFC];
	_ =	sdelay $0x3  }
0x95: {  	_ =	strace s4  }
0x96: {  	s4 =	sld [smem:$0x3FFD];
	_ =	sdelay $0x3  }
0x97: {  	_ =	strace s4  }
0x98: {  	_ =	strace $0x8FFFFFFF  }
0x99: {  	s20 =	sld [smem:$0x3FDB];
	_ =	sdelay $0x1  }
0x9a: {  	s5 =	simm.s32 $_scs_section_size  }
0x9b: {  	s6 =	simm.s32 $_size__tile_overlayer_lowered;
	s7 =	simm.s32 $_tile_overlayer_lowered  }
0x9c: {  	s23 =	simm.s32 $0x1BFF;
	s22 =	sshll.u32 s7, $0x1;
	s4 =	sadd.s32 s5, s20  }
0x9d: {  	s8 =	simm.s32 $0x0;
	s21 =	sshll.u32 s6, $0x1;
	s6 =	sadd.s32 s22, s4  }
0x9e: {  	[timem:s8], [sflag:s23] =	dma.local [hbm:s6], s21  }
0x9f: {  	_ =	swait.ge [sflag:s23], s21  }
0xa0: {  	s5 =	ssub.s32 $0x0, s21;
	[sflag:s23] =	ssyncset.done $0x0  }
0xa1: {  	[sflag:s23] =	ssyncadd.s32 s5;
	_ =	sdelay $0x1  }
0xa2: {  	s24 =	simm.s32 $0x1B8B  }
0xa3: {  	_ =	swait.ge [sflag:s24], $0x1  }
0xa4: {  	[sflag:s24] =	ssyncset.done $0x0  }
0xa5: {  	s25 =	simm.s32 $0x1B8E;
	[sflag:s24] =	ssyncadd.s32 $0xFFFFFFFF  }
0xa6: {  	s26 =	simm.s32 $execute0_lowered;
	[smem:$0x3FD2] =	sst s25  }
0xa7: {  	s5 =	sshll.u32 s26, $0x1;
	_ =	strace $0x80000046;
	[dreg:$0x1] =	wrdreg $0xFFFFFFFF  }
0xa8: {  	s28 =	simm.s32 $_size_execute0_lowered;
	s4 =	sadd.s32 s4, s5;
	[dreg:$0x0] =	wrdreg $0x0  }
0xa9: {  	s5 =	sshll.u32 s28, $0x1;
	[dreg:$0x2] =	wrdreg s4  }
0xaa: {  	[dreg:$0x3] =	wrdreg s5  }
0xab: {  	[dreg:$0x4] =	wrdreg $0xC0  }
0xac: {  	_ =	task [dreg:s8], $0x5FFFF  }
0xad: {  	[dreg:$0x1] =	wrdreg $0xFFFFFFFF  }
0xae: {  	[dreg:$0x0] =	wrdreg $0x60  }
0xaf: {  	[dreg:$0x2] =	wrdreg s2  }
0xb0: {  	[dreg:$0x3] =	wrdreg s19  }
0xb1: {  	[dreg:$0x4] =	wrdreg $0x9  }
0xb2: {  	_ =	task.clear_ibuf [dreg:s8], $0x5FFFF;
	_ =	strace $0x90000046  }
0xb3: {  	s29 =	simm.s32 $0x9;
	_ =	strace $0x80000048  }
0xb4: {  	_ =	swait.ge [sflag:s29], $0x1  }
0xb5: {  	[sflag:s29] =	ssyncadd.s32 $0xFFFFFFFF  }
0xb6: {  	_ =	strace $0x90000048  }
0xb7: {  	_ =	sfence  }
0xb8: {  	s30 =	sld [smem:$0x0];
	_ =	sdelay $0x2  }
0xb9: {  	s31 =	sshll.u32 s1, $0xD;
	s1 =	sshrl.u32 s1, $0x2  }
0xba: {  	s3 =	sand.u32 $0x4000, s31;
	s1 =	sadd.s32 s1, s30  }
0xbb: {  	s0 =	sor.u32 s3, s0;
	s1 =	sshll.u32 s1, $0x11  }
0xbc: {  	s0 =	sor.u32 s1, s0  }
0xbd: {  	s0 =	sadd.s32 $0x8F2B, s0  }
0xbe: {  	[sflag:s0] =	ssyncadd.remote.s32 $0x1  }
0xbf: {  	_ =	sfence.sel $0xFFFF  }
0xc0: {  	[dreg:$0x0] =	wrdreg $0xFFFFFFFF;
	(pc) =	sbr.abs _section_cstart, $3  }
0xc1: {  	[dreg:$0x1] =	wrdreg $0xFFFFFFFF  }
0xc2: {  	_ =	task.clear_ibuf [dreg:s8], $0x2FFFF;
	_ =	strace $0x9FFFFFFF  }
0xc3: {  	(tm) =	ssettm $0x7FFFFFFF  }
tec
execute0_lowered:
.L_overlay_start_1:
0x0: {  	(tag) =	ssettag $0x1  }
0x1: {  	v0 =	vimm.s32 $0xFEDCBA98  }
0x2: {  	s2 =	srdreg.scid;
	s0 =	stileid.u32;
	v1 =	vimm.s32 $0x76543210;
	v2 =	vimm.s32 $0xBA98FEDC;
	v3 =	vimm.s32 $0x32107654  }
0x3: {  	s1 =	rddreg [dreg:$0x0];
	s3 =	simm.s32 $0x0;
	v4 =	vimm.s32 $0xDCFE98BA;
	v5 =	vimm.s32 $0x54761032;
	s13 =	simm.s32 $0x4000  }
0x4: {  	v6 =	vimm.s32 $0xEFCDAB89;
	v7 =	vimm.s32 $0x67452301;
	s14 =	simm.s32 $0x1;
	s15 =	simm.s32 $0x8000;
	s16 =	simm.s32 $0x2  }
0x5: {  	s17 =	simm.s32 $0xC000;
	s5 =	sand.u32 $0x1, s2;
	s4 =	sshll.u32 s0, $0x1;
	v0 =	vunpack.c.l.s4.s8 v0;
	v1 =	vunpack.c.l.s4.s8 v1;
	v2 =	vunpack.c.l.s4.s8 v2  }
0x6: {  	s18 =	simm.s32 $0x3;
	s19 =	simm.s32 $0x4;
	v3 =	vunpack.c.l.s4.s8 v3;
	v4 =	vunpack.c.l.s4.s8 v4;
	v5 =	vunpack.c.l.s4.s8 v5;
	s6 =	sor.u32 s5, s4  }
0x7: {  	s20 =	simm.s32 $0x0;
	s2 =	rddreg [dreg:$0x1];
	v6 =	vunpack.c.l.s4.s8 v6;
	v7 =	vunpack.c.l.s4.s8 v7;
	s7 =	smul.u32 $0xC80, s6;
	v0 =	vunpack.c.0.s8.s32 v0  }
0x8: {  	[smem:$0x7FF] =	sst s3;
	s9 =	ssub.s32 $0x2, s5;
	s8 =	smul.u32 $0xC800, s6;
	v2 =	vunpack.c.0.s8.s32 v2;
	v3 =	vunpack.c.0.s8.s32 v3;
	v4 =	vunpack.c.0.s8.s32 v4  }
0x9: {  	s4 =	rddreg [dreg:$0x2];
	s10 =	sshrl.u32 s9, $0x1;
	s5 =	smul.u32 $0x19, s6;
	v5 =	vunpack.c.0.s8.s32 v5;
	v6 =	vunpack.c.0.s8.s32 v6;
	v7 =	vunpack.c.0.s8.s32 v7  }
0xa: {  	_ =	strace $0x80000047;
	v1 =	vunpack.c.0.s8.s32 v1;
	s12 =	ssub.s32 s9, s10;
	s7 =	smin.u32 s7, $0x17A20;
	v2 =	vcombine.low v3, v2  }
0xb: {  	s6 =	sadd.s32 s1, s8;
	s8 =	sadd.s32 $0x2, s5;
	v3 =	vcombine.low v5, v4;
	v4 =	vcombine.low v7, v6;
	v0 =	vand.u32 $0xF, v0;
	s31 =	sshll.u32 s7, $0x4  }
0xc: {  	s9 =	sadd.s32 $0x3, s5;
	s10 =	sadd.s32 $0x1, s5;
	v0 =	vcombine.low v0, v1;
	s11 =	sadd.s32 s31, s2  }
0xd: {  	s12 =	smax.u32 s12, $0x1;
	s7 =	sadd.s32 $0x800, s6;
	v1 =	vand.u32 $0xF, v2;
	v2 =	vand.u32 $0xF, v3;
	v3 =	vand.u32 $0xF, v4;
	s11 =	sadd.s32 $0xC000, s11  }
.LBB2_1:
0xe: {  	[tilespmem:s3], [sflag:$0x1] =	stream.linear.gather [hbm4b:s6+s3], $0x4000, $0x38;
	[tilespmem:$0x10000] =	vst v63  }
0xf: {  	s21 =	simm.s32 $0x0  }
0x10: {  	[tilespmem:s13], [sflag:$0x2] =	stream.linear.gather [hbm4b:s7+s3], $0x4000, $0x38;
	[tilespmem:$0x10000] =	vst v63  }
.LBB2_2:
0x11: {  	_ =	swait.ge [sflag:s14], $0x4000  }
0x12: {  	p0 =	seq.s32 s21, $0x0;
	[sflag:s14] =	ssyncset.done $0x0  }
0x13: {  	s22 =	simm.s32 @!p0 $0x3;
	[sflag:s14] =	ssyncadd.s32 $0xFFFFC000  }
0x14: {  	_ =	swait.ge @!p0 [sflag:s22], $0x4000  }
0x15: {  	[sflag:s22] =	ssyncset.done @!p0 $0x0  }
0x16: {  	s31 =	simm.s32 $0x100;
	[sflag:s22] =	ssyncadd.s32 @!p0 $0xFFFFC000  }
0x17: {  	v6 =	vld [tilespmem:s31+$0x80]  }
0x18: {  	v7 =	vld [tilespmem:s31+$0x90]  }
0x19: {  	v4 =	vld [tilespmem:s31+$0xFFFFFF10]  }
0x1a: {  	v5 =	vld [tilespmem:s31+$0xA0]  }
0x1b: {  	v14 =	vld [tilespmem:s31+$0xFFFFFF80]  }
0x1c: {  	v8 =	vld [tilespmem:s31+$0xB0]  }
0x1d: {  	v15 =	vld [tilespmem:s31+$0xFFFFFF90]  }
0x1e: {  	v9 =	vld [tilespmem:s31+$0xC0]  }
0x1f: {  	v21 =	vld [tilespmem:s31+$0xFFFFFF00];
	v11 =	vmul.f32 v6, v6;
	v12 =	vadd.f32 v7, v6;
	v13 =	vmul.f32 v7, v7  }
0x20: {  	v10 =	vld [tilespmem:s31+$0x0];
	v17 =	vmul.f32 v5, v5  }
0x21: {  	v18 =	vmul.f32 v8, v8;
	v13 =	vadd.f32 v13, v11;
	v16 =	vadd.f32 v5, v12;
	v12 =	vld [tilespmem:s31+$0xD0]  }
0x22: {  	v19 =	vmul.f32 v14, v14;
	v20 =	vmul.f32 v15, v15;
	v11 =	vld [tilespmem:s31+$0x10]  }
0x23: {  	v23 =	vld [tilespmem:s31+$0xFFFFFF20];
	v22 =	vmul.f32 v4, v4;
	v24 =	vadd.f32 v15, v14;
	v17 =	vadd.f32 v17, v13  }
0x24: {  	v29 =	vmul.f32 v21, v21;
	v30 =	vadd.f32 v4, v21;
	v16 =	vadd.f32 v8, v16;
	v13 =	vld [tilespmem:s31+$0xE0]  }
0x25: {  	v20 =	vadd.f32 v20, v19;
	v17 =	vadd.f32 v18, v17;
	v18 =	vmul.f32 v9, v9  }
0x26: {  	v34 =	vld [tilespmem:s31+$0xF0];
	v26 =	vmul.f32 v10, v10;
	v22 =	vadd.f32 v22, v29;
	v16 =	vadd.f32 v9, v16  }
0x27: {  	v25 =	vmul.f32 v12, v12;
	v28 =	vmul.f32 v11, v11;
	v17 =	vadd.f32 v18, v17;
	v18 =	vld [tilespmem:s31+$0xFFFFFFA0]  }
0x28: {  	v33 =	vmul.f32 v23, v23;
	v30 =	vadd.f32 v23, v30;
	v19 =	vadd.f32 v12, v16;
	v16 =	vld [tilespmem:s31+$0x20]  }
0x29: {  	v28 =	vadd.f32 v28, v26;
	v26 =	vld [tilespmem:s31+$0xFFFFFF30];
	v17 =	vadd.f32 v25, v17;
	v25 =	vmul.f32 v13, v13  }
0x2a: {  	v29 =	vld [tilespmem:s31+$0xFFFFFF40];
	v33 =	vadd.f32 v33, v22;
	v19 =	vadd.f32 v13, v19  }
0x2b: {  	v32 =	vmul.f32 v34, v34;
	v27 =	vadd.f32 v11, v10;
	v25 =	vadd.f32 v25, v17  }
0x2c: {  	v31 =	vadd.f32 v34, v19;
	v19 =	vld [tilespmem:s31+$0xFFFFFFB0];
	v24 =	vadd.f32 v18, v24;
	v35 =	vmul.f32 v18, v18  }
0x2d: {  	v17 =	vld [tilespmem:s31+$0x30];
	v27 =	vadd.f32 v16, v27;
	v36 =	vmul.f32 v16, v16;
	v25 =	vadd.f32 v32, v25  }
0x2e: {  	v44 =	vperm.xlane v31, v0;
	v37 =	vadd.f32 v26, v30;
	v38 =	vmul.f32 v26, v26  }
0x2f: {  	v22 =	vld [tilespmem:s31+$0xFFFFFFC0];
	v48 =	vmul.f32 v29, v29;
	v35 =	vadd.f32 v35, v20;
	v28 =	vadd.f32 v36, v28  }
0x30: {  	v30 =	vld [tilespmem:s31+$0xFFFFFF50];
	v31 =	vadd.f32 v44, v31;
	v45 =	vperm.xlane v25, v0;
	v33 =	vadd.f32 v38, v33  }
0x31: {  	v20 =	vld [tilespmem:s31+$0x40];
	v37 =	vadd.f32 v29, v37;
	v39 =	vadd.f32 v19, v24;
	v46 =	vmul.f32 v19, v19  }
0x32: {  	v47 =	vadd.f32 v17, v27;
	v40 =	vmul.f32 v17, v17;
	v25 =	vadd.f32 v45, v25  }
0x33: {  	v27 =	vld [tilespmem:s31+$0xFFFFFFD0];
	v24 =	vperm.xlane v31, v1;
	v33 =	vadd.f32 v48, v33;
	v32 =	vadd.f32 v46, v35  }
0x34: {  	v39 =	vadd.f32 v22, v39;
	v28 =	vadd.f32 v40, v28  }
0x35: {  	v35 =	vld [tilespmem:s31+$0xFFFFFF60];
	v42 =	vmul.f32 v30, v30;
	v31 =	vadd.f32 v24, v31;
	v24 =	vperm.xlane v25, v1  }
0x36: {  	v41 =	vmul.f32 v22, v22;
	v37 =	vadd.f32 v30, v37;
	v36 =	vadd.f32 v20, v47  }
0x37: {  	v53 =	vadd.f32 v42, v33;
	v42 =	vld [tilespmem:s31+$0xFFFFFF70];
	v49 =	vperm.xlane v31, v2;
	v25 =	vadd.f32 v24, v25  }
0x38: {  	v51 =	vmul.f32 v20, v20;
	v41 =	vadd.f32 v41, v32;
	v24 =	vld [tilespmem:s31+$0x50];
	v39 =	vadd.f32 v27, v39  }
0x39: {  	v44 =	vmul.f32 v27, v27;
	v50 =	vadd.f32 v49, v31;
	v31 =	vperm.xlane v25, v2  }
0x3a: {  	v38 =	vadd.f32 v51, v28;
	v28 =	vld [tilespmem:s31+$0x60];
	v37 =	vadd.f32 v35, v37;
	v46 =	vmul.f32 v35, v35  }
0x3b: {  	v41 =	vadd.f32 v44, v41;
	v25 =	vadd.f32 v31, v25;
	v52 =	vperm.xlane v50, v3  }
0x3c: {  	v31 =	vld [tilespmem:s31+$0xFFFFFFE0];
	v40 =	vadd.f32 v46, v53;
	v56 =	vmul.f32 v42, v42;
	v37 =	vadd.f32 v42, v37  }
0x3d: {  	v36 =	vadd.f32 v24, v36;
	v45 =	vmul.f32 v24, v24;
	v43 =	vperm.xlane v25, v3  }
0x3e: {  	v32 =	vadd.f32 v52, v50;
	v59 =	vperm.xlane v37, v0;
	v40 =	vadd.f32 v56, v40  }
0x3f: {  	v33 =	vld [tilespmem:s31+$0xFFFFFFF0];
	v47 =	vmul.f32 v28, v28;
	v38 =	vadd.f32 v45, v38;
	v36 =	vadd.f32 v28, v36  }
0x40: {  	v43 =	vadd.f32 v43, v25;
	v25 =	vmul.f32 $7.812500000e-03, v32;
	v37 =	vadd.f32 v59, v37  }
0x41: {  	v32 =	vld [tilespmem:s31+$0x70];
	v63 =	vperm.xlane v40, v0;
	v39 =	vadd.f32 v31, v39;
	v55 =	vmul.f32 v31, v31  }
0x42: {  	v38 =	vadd.f32 v47, v38;
	v43 =	vmul.f32 $7.812500000e-03, v43;
	v54 =	vmul.f32 v25, v25  }
0x43: {  	v49 =	vperm.xlane v37, v1;
	v40 =	vadd.f32 v63, v40;
	v34 =	vsub.f32 v34, v25  }
0x44: {  	v41 =	vadd.f32 v55, v41;
	v39 =	vadd.f32 v33, v39  }
0x45: {  	v57 =	vmul.f32 v33, v33;
	v43 =	vsub.f32 v43, v54;
	v37 =	vadd.f32 v49, v37  }
0x46: {  	v53 =	vperm.xlane v40, v1;
	v58 =	vmul.f32 v32, v32;
	v36 =	vadd.f32 v32, v36  }
0x47: {  	v41 =	vadd.f32 v57, v41;
	v61 =	vperm.xlane v39, v0;
	v43 =	vadd.f32 $9.999999960e-13, v43  }
0x48: {  	v40 =	vadd.f32 v53, v40;
	v56 =	vperm.xlane v37, v2;
	v38 =	vadd.f32 v58, v38  }
0x49: {  	v62 =	vperm.xlane v36, v0;
	v39 =	vadd.f32 v61, v39;
	v48 =	vperm.xlane v41, v0  }
0x4a: {  	v60 =	vshrl.u32 v43, $0x1;
	v43 =	vmul.f32 $5.000000000e-01, v43;
	v57 =	vperm.xlane v40, v2  }
0x4b: {  	v37 =	vadd.f32 v56, v37;
	v46 =	vsub.s32 $0x5F3759DF, v60;
	v36 =	vadd.f32 v62, v36  }
0x4c: {  	v50 =	vperm.xlane v38, v0;
	v41 =	vadd.f32 v48, v41;
	v51 =	vperm.xlane v39, v1  }
0x4d: {  	v43 =	vmul.f32 v46, v43;
	v40 =	vadd.f32 v57, v40;
	v61 =	vperm.xlane v37, v3  }
0x4e: {  	v52 =	vperm.xlane v36, v1;
	v38 =	vadd.f32 v50, v38;
	v54 =	vperm.xlane v41, v1  }
0x4f: {  	v39 =	vadd.f32 v51, v39;
	v43 =	vmul.f32 v46, v43;
	v62 =	vperm.xlane v40, v3  }
0x50: {  	v37 =	vadd.f32 v61, v37;
	v36 =	vadd.f32 v52, v36;
	v55 =	vperm.xlane v38, v1  }
0x51: {  	v48 =	vperm.xlane v39, v2;
	v41 =	vadd.f32 v54, v41;
	v43 =	vsub.f32 $1.500000000e+00, v43  }
0x52: {  	v40 =	vadd.f32 v62, v40;
	v37 =	vmul.f32 $7.812500000e-03, v37;
	v38 =	vadd.f32 v55, v38  }
0x53: {  	v58 =	vperm.xlane v36, v2;
	v39 =	vadd.f32 v48, v39;
	v59 =	vperm.xlane v41, v2  }
0x54: {  	v40 =	vmul.f32 $7.812500000e-03, v40;
	v53 =	vmul.f32 v37, v37;
	v21 =	vsub.f32 v21, v37  }
0x55: {  	v54 =	vsub.f32 v4, v37;
	v36 =	vadd.f32 v58, v36;
	v60 =	vperm.xlane v38, v2  }
0x56: {  	v23 =	vsub.f32 v23, v37;
	v48 =	vperm.xlane v39, v3;
	v41 =	vadd.f32 v59, v41  }
0x57: {  	v56 =	vsub.f32 v26, v37;
	v38 =	vadd.f32 v60, v38;
	v63 =	vperm.xlane v36, v3  }
0x58: {  	v57 =	vsub.f32 v29, v37;
	v39 =	vadd.f32 v48, v39;
	v49 =	vperm.xlane v41, v3  }
0x59: {  	v61 =	vsub.f32 v30, v37;
	v36 =	vadd.f32 v63, v36;
	v50 =	vperm.xlane v38, v3  }
0x5a: {  	v42 =	vsub.f32 v42, v37;
	v47 =	vmul.f32 $7.812500000e-03, v39;
	v51 =	vadd.f32 v49, v41  }
0x5b: {  	v49 =	vsub.f32 v35, v37;
	v41 =	vmul.f32 $7.812500000e-03, v36;
	v52 =	vadd.f32 v50, v38  }
0x5c: {  	v39 =	vmul.f32 $7.812500000e-03, v51;
	v4 =	vmul.f32 v47, v47;
	v38 =	vsub.f32 v40, v53  }
0x5d: {  	v14 =	vsub.f32 v14, v47;
	v36 =	vmul.f32 $7.812500000e-03, v52;
	v55 =	vmul.f32 v41, v41  }
0x5e: {  	v26 =	vsub.f32 v39, v4;
	v38 =	vadd.f32 $9.999999960e-13, v38  }
0x5f: {  	v15 =	vsub.f32 v15, v47;
	v36 =	vsub.f32 v36, v55  }
0x60: {  	v26 =	vadd.f32 $9.999999960e-13, v26;
	v29 =	vshrl.u32 v38, $0x1;
	v38 =	vmul.f32 $5.000000000e-01, v38  }
0x61: {  	v35 =	vsub.f32 v18, v47;
	v40 =	vsub.f32 v19, v47;
	v29 =	vsub.s32 $0x5F3759DF, v29  }
0x62: {  	v36 =	vadd.f32 $9.999999960e-13, v36;
	v58 =	vshrl.u32 v26, $0x1;
	v38 =	vmul.f32 v29, v38  }
0x63: {  	v4 =	vmul.f32 v46, v43;
	v26 =	vmul.f32 $5.000000000e-01, v26;
	v39 =	vsub.s32 $0x5F3759DF, v58  }
0x64: {  	v59 =	vshrl.u32 v36, $0x1;
	v36 =	vmul.f32 $5.000000000e-01, v36;
	v62 =	vmul.f32 v29, v38  }
0x65: {  	v34 =	vmul.f32 v4, v34;
	v26 =	vmul.f32 v39, v26;
	v60 =	vsub.s32 $0x5F3759DF, v59  }
0x66: {  	s23 =	simm.s32 $0x8100;
	v19 =	vsub.f32 v11, v41;
	v30 =	vmul.f32 v60, v36;
	v63 =	vsub.f32 $1.500000000e+00, v62  }
0x67: {  	v37 =	vsub.f32 v20, v41;
	[tilespmem:s23+$0xF0] =	vst v34;
	v34 =	vsub.f32 v10, v41;
	v26 =	vmul.f32 v39, v26  }
0x68: {  	v38 =	vsub.f32 v22, v47;
	v30 =	vmul.f32 v60, v30;
	v50 =	vmul.f32 v29, v63  }
0x69: {  	v36 =	vsub.f32 v16, v41;
	v16 =	vsub.f32 v28, v41  }
0x6a: {  	v26 =	vsub.f32 $1.500000000e+00, v26;
	v18 =	vsub.f32 $1.500000000e+00, v30;
	v10 =	vmul.f32 v50, v23  }
0x6b: {  	v29 =	vsub.f32 v27, v47;
	v27 =	vsub.f32 v24, v41;
	v11 =	vmul.f32 v50, v56  }
0x6c: {  	v24 =	vsub.f32 v6, v25;
	v22 =	vmul.f32 v60, v18;
	v18 =	vmul.f32 v50, v21;
	[tilespmem:s23+$0xFFFFFF20] =	vst v10  }
0x6d: {  	v30 =	vmul.f32 v39, v26;
	v39 =	vsub.f32 v31, v47;
	v21 =	vmul.f32 v50, v54;
	[tilespmem:s23+$0xFFFFFF30] =	vst v11  }
0x6e: {  	v31 =	vsub.f32 v33, v47;
	v26 =	vsub.f32 v17, v41;
	v10 =	vmul.f32 v50, v57;
	[tilespmem:s23+$0xFFFFFF00] =	vst v18  }
0x6f: {  	v23 =	vsub.f32 v7, v25;
	v11 =	vmul.f32 v50, v61;
	[tilespmem:s23+$0xFFFFFF10] =	vst v21;
	v18 =	vsub.f32 v32, v41  }
0x70: {  	v6 =	vmul.f32 v50, v49;
	[tilespmem:s23+$0xFFFFFF40] =	vst v10;
	v21 =	vsub.f32 v5, v25;
	v10 =	vsub.f32 v8, v25  }
0x71: {  	s25 =	simm.s32 $0x0;
	v7 =	vmul.f32 v50, v42;
	[tilespmem:s23+$0xFFFFFF50] =	vst v11;
	v11 =	vsub.f32 v9, v25;
	v9 =	vsub.f32 v12, v25  }
0x72: {  	s26 =	simm.s32 $0x300;
	s24 =	simm.s32 $0x8100;
	s22 =	sshll.u32 s21, $0x1;
	[tilespmem:s23+$0xFFFFFF60] =	vst v6;
	v12 =	vmul.f32 v30, v14;
	v8 =	vmul.f32 v30, v15;
	v5 =	vsub.f32 v13, v25  }
.LBB2_3:
0x73: {  	v6 =	vld [tilespmem:s26+$0x80];
	[tilespmem:s23+$0xFFFFFF70] =	vst v7;
	v13 =	vmul.f32 v30, v35;
	v14 =	vmul.f32 v30, v40  }
0x74: {  	s25 =	sadd.s32 $0x4, s25;
	v15 =	vmul.f32 v30, v38;
	v25 =	vmul.f32 v30, v29;
	v7 =	vld [tilespmem:s26+$0x90];
	[tilespmem:s23+$0xFFFFFF80] =	vst v12  }
0x75: {  	v28 =	vmul.f32 v30, v39;
	v29 =	vmul.f32 v30, v31;
	p1 =	slt.u32 s25, $0x7C;
	v20 =	vld [tilespmem:s26+$0xFFFFFF10];
	[tilespmem:s23+$0xFFFFFF90] =	vst v8  }
0x76: {  	v30 =	vmul.f32 v22, v34;
	v31 =	vmul.f32 v22, v19;
	v8 =	vld [tilespmem:s26+$0xA0];
	[tilespmem:s23+$0xFFFFFFA0] =	vst v13  }
0x77: {  	v32 =	vmul.f32 v22, v36;
	v26 =	vmul.f32 v22, v26;
	v17 =	vld [tilespmem:s26+$0xFFFFFF80];
	[tilespmem:s23+$0xFFFFFFB0] =	vst v14  }
0x78: {  	v33 =	vmul.f32 v22, v37;
	v27 =	vmul.f32 v22, v27;
	v12 =	vld [tilespmem:s26+$0xB0];
	[tilespmem:s23+$0xFFFFFFC0] =	vst v15  }
0x79: {  	v14 =	vmul.f32 v6, v6;
	v19 =	vld [tilespmem:s26+$0xFFFFFF90];
	v15 =	vadd.f32 v7, v6;
	v34 =	vmul.f32 v7, v7;
	[tilespmem:s23+$0xFFFFFFD0] =	vst v25  }
0x7a: {  	v25 =	vmul.f32 v20, v20;
	v13 =	vld [tilespmem:s26+$0xC0];
	[tilespmem:s23+$0xFFFFFFE0] =	vst v28;
	v28 =	vmul.f32 v22, v16  }
0x7b: {  	v16 =	vld [tilespmem:s26+$0x0];
	v34 =	vadd.f32 v34, v14;
	v15 =	vadd.f32 v8, v15;
	v35 =	vmul.f32 v8, v8;
	[tilespmem:s23+$0xFFFFFFF0] =	vst v29  }
0x7c: {  	v36 =	vmul.f32 v22, v18;
	v29 =	vmul.f32 v17, v17;
	v14 =	vld [tilespmem:s26+$0xD0];
	[tilespmem:s23+$0x0] =	vst v30  }
0x7d: {  	v18 =	vld [tilespmem:s26+$0x10];
	v22 =	vadd.f32 v35, v34;
	v34 =	vadd.f32 v12, v15;
	v35 =	vmul.f32 v12, v12;
	[tilespmem:s23+$0x10] =	vst v31  }
0x7e: {  	v24 =	vmul.f32 v4, v24;
	v37 =	vadd.f32 v19, v17;
	v31 =	vmul.f32 v19, v19;
	v15 =	vld [tilespmem:s26+$0xE0];
	[tilespmem:s23+$0x20] =	vst v32  }
0x7f: {  	v30 =	vld [tilespmem:s26+$0xFFFFFF00];
	v22 =	vadd.f32 v35, v22;
	v32 =	vadd.f32 v13, v34;
	v34 =	vmul.f32 v13, v13;
	[tilespmem:s23+$0x30] =	vst v26  }
0x80: {  	v23 =	vmul.f32 v4, v23;
	v29 =	vadd.f32 v31, v29;
	v26 =	vmul.f32 v16, v16;
	v41 =	vld [tilespmem:s26+$0xF0];
	[tilespmem:s23+$0x40] =	vst v33  }
0x81: {  	v31 =	vld [tilespmem:s26+$0xFFFFFF20];
	v33 =	vadd.f32 v34, v22;
	v32 =	vadd.f32 v14, v32;
	v34 =	vmul.f32 v14, v14;
	[tilespmem:s23+$0x50] =	vst v27  }
0x82: {  	v22 =	vld [tilespmem:s26+$0xFFFFFFA0];
	v27 =	vadd.f32 v18, v16;
	v38 =	vmul.f32 v18, v18;
	[tilespmem:s23+$0x60] =	vst v28;
	v28 =	vmul.f32 v4, v21  }
0x83: {  	v21 =	vld [tilespmem:s26+$0x20];
	v33 =	vadd.f32 v34, v33;
	v32 =	vadd.f32 v15, v32;
	v34 =	vmul.f32 v15, v15;
	[tilespmem:s23+$0x70] =	vst v36  }
0x84: {  	v35 =	vld [tilespmem:s26+$0xFFFFFF30];
	v36 =	vmul.f32 v30, v30;
	v39 =	vadd.f32 v20, v30;
	v40 =	vadd.f32 v38, v26;
	[tilespmem:s23+$0x80] =	vst v24  }
0x85: {  	v24 =	vld [tilespmem:s26+$0xFFFFFFB0];
	v26 =	vadd.f32 v34, v33;
	v32 =	vadd.f32 v41, v32;
	v33 =	vmul.f32 v41, v41;
	[tilespmem:s23+$0x90] =	vst v23  }
0x86: {  	v25 =	vadd.f32 v25, v36;
	v34 =	vadd.f32 v31, v39;
	v36 =	vmul.f32 v31, v31;
	v23 =	vld [tilespmem:s26+$0x30];
	[tilespmem:s23+$0xA0] =	vst v28  }
0x87: {  	v38 =	vld [tilespmem:s26+$0xFFFFFF40];
	v28 =	vadd.f32 v22, v37;
	v33 =	vadd.f32 v33, v26;
	v37 =	vperm.xlane v32, v0  }
0x88: {  	v39 =	vmul.f32 v22, v22;
	v26 =	vld [tilespmem:s26+$0xFFFFFFC0];
	v42 =	vadd.f32 v21, v27;
	v43 =	vmul.f32 v21, v21  }
0x89: {  	v44 =	vadd.f32 v36, v25;
	v25 =	vld [tilespmem:s26+$0x40];
	v32 =	vadd.f32 v37, v32;
	v27 =	vperm.xlane v33, v0  }
0x8a: {  	v34 =	vadd.f32 v35, v34;
	v37 =	vmul.f32 v35, v35;
	v45 =	vadd.f32 v39, v29;
	v36 =	vld [tilespmem:s26+$0xFFFFFF50]  }
0x8b: {  	v46 =	vadd.f32 v24, v28;
	v29 =	vld [tilespmem:s26+$0xFFFFFFD0];
	v28 =	vperm.xlane v32, v1;
	v33 =	vadd.f32 v27, v33  }
0x8c: {  	v47 =	vmul.f32 v24, v24;
	v43 =	vadd.f32 v43, v40;
	v42 =	vadd.f32 v23, v42;
	v27 =	vld [tilespmem:s26+$0x50]  }
0x8d: {  	v48 =	vmul.f32 v23, v23;
	v39 =	vld [tilespmem:s26+$0xFFFFFF60];
	v32 =	vadd.f32 v28, v32;
	v40 =	vperm.xlane v33, v1  }
0x8e: {  	v44 =	vadd.f32 v37, v44;
	v49 =	vadd.f32 v38, v34;
	v50 =	vmul.f32 v38, v38;
	v34 =	vld [tilespmem:s26+$0xFFFFFFE0]  }
0x8f: {  	v45 =	vadd.f32 v47, v45;
	v28 =	vld [tilespmem:s26+$0x60];
	v47 =	vperm.xlane v32, v2;
	v33 =	vadd.f32 v40, v33  }
0x90: {  	v46 =	vadd.f32 v26, v46;
	v51 =	vmul.f32 v26, v26;
	v43 =	vadd.f32 v48, v43;
	v40 =	vld [tilespmem:s26+$0xFFFFFF70]  }
0x91: {  	v42 =	vadd.f32 v25, v42;
	v37 =	vld [tilespmem:s26+$0xFFFFFFF0];
	v47 =	vadd.f32 v47, v32;
	v48 =	vperm.xlane v33, v2  }
0x92: {  	v44 =	vadd.f32 v50, v44;
	v50 =	vmul.f32 v25, v25;
	v49 =	vadd.f32 v36, v49;
	v32 =	vld [tilespmem:s26+$0x70]  }
0x93: {  	v45 =	vadd.f32 v51, v45;
	v51 =	vperm.xlane v47, v3;
	v48 =	vadd.f32 v48, v33  }
0x94: {  	v46 =	vadd.f32 v29, v46;
	v43 =	vadd.f32 v50, v43;
	v33 =	vmul.f32 v36, v36  }
0x95: {  	v42 =	vadd.f32 v27, v42;
	v47 =	vadd.f32 v51, v47;
	v50 =	vperm.xlane v48, v3  }
0x96: {  	v52 =	vmul.f32 v27, v27;
	v44 =	vadd.f32 v33, v44;
	v51 =	vmul.f32 v29, v29  }
0x97: {  	v49 =	vadd.f32 v39, v49;
	v33 =	vmul.f32 $7.812500000e-03, v47;
	v47 =	vadd.f32 v50, v48  }
0x98: {  	v46 =	vadd.f32 v34, v46;
	v48 =	vmul.f32 v39, v39;
	v45 =	vadd.f32 v51, v45  }
0x99: {  	v43 =	vadd.f32 v52, v43;
	v47 =	vmul.f32 $7.812500000e-03, v47;
	v50 =	vmul.f32 v33, v33  }
0x9a: {  	v42 =	vadd.f32 v28, v42;
	v52 =	vmul.f32 v28, v28;
	v51 =	vmul.f32 v34, v34  }
0x9b: {  	v44 =	vadd.f32 v48, v44;
	v48 =	vmul.f32 v40, v40;
	v47 =	vsub.f32 v47, v50  }
0x9c: {  	v49 =	vadd.f32 v40, v49;
	v45 =	vadd.f32 v51, v45;
	v50 =	vmul.f32 v37, v37  }
0x9d: {  	v46 =	vadd.f32 v37, v46;
	v51 =	vmul.f32 v32, v32;
	v47 =	vadd.f32 $9.999999960e-13, v47  }
0x9e: {  	v43 =	vadd.f32 v52, v43;
	v53 =	vperm.xlane v49, v0;
	v42 =	vadd.f32 v32, v42  }
0x9f: {  	v44 =	vadd.f32 v48, v44;
	v48 =	vshrl.u32 v47, $0x1;
	v47 =	vmul.f32 $5.000000000e-01, v47  }
0xa0: {  	v45 =	vadd.f32 v50, v45;
	v50 =	vperm.xlane v46, v0;
	v48 =	vsub.s32 $0x5F3759DF, v48  }
0xa1: {  	v43 =	vadd.f32 v51, v43;
	v51 =	vperm.xlane v42, v0;
	v47 =	vmul.f32 v48, v47  }
0xa2: {  	v49 =	vadd.f32 v53, v49;
	v52 =	vperm.xlane v44, v0;
	v46 =	vadd.f32 v50, v46  }
0xa3: {  	v42 =	vadd.f32 v51, v42;
	v50 =	vperm.xlane v45, v0;
	v47 =	vmul.f32 v48, v47  }
0xa4: {  	v51 =	vperm.xlane v49, v1;
	v44 =	vadd.f32 v52, v44;
	v52 =	vperm.xlane v43, v0  }
0xa5: {  	v53 =	vperm.xlane v46, v1;
	v45 =	vadd.f32 v50, v45;
	v47 =	vsub.f32 $1.500000000e+00, v47  }
0xa6: {  	v49 =	vadd.f32 v51, v49;
	v50 =	vperm.xlane v42, v1;
	v43 =	vadd.f32 v52, v43  }
0xa7: {  	v41 =	vsub.f32 v41, v33;
	v51 =	vperm.xlane v44, v1;
	v47 =	vmul.f32 v48, v47  }
0xa8: {  	v46 =	vadd.f32 v53, v46;
	v42 =	vadd.f32 v50, v42;
	v48 =	vperm.xlane v45, v1  }
0xa9: {  	v44 =	vadd.f32 v51, v44;
	v50 =	vperm.xlane v43, v1;
	v41 =	vmul.f32 v47, v41  }
0xaa: {  	s23 =	sadd.s32 $0x200, s23;
	v51 =	vperm.xlane v49, v2;
	v52 =	vperm.xlane v46, v2;
	v45 =	vadd.f32 v48, v45  }
0xab: {  	v53 =	vperm.xlane v42, v2;
	v43 =	vadd.f32 v50, v43;
	v48 =	vperm.xlane v44, v2;
	[tilespmem:s23+$0xF0] =	vst v41  }
0xac: {  	v46 =	vadd.f32 v52, v46;
	v41 =	vadd.f32 v51, v49;
	v49 =	vperm.xlane v45, v2  }
0xad: {  	v42 =	vadd.f32 v53, v42;
	v44 =	vadd.f32 v48, v44;
	v48 =	vperm.xlane v43, v2  }
0xae: {  	v51 =	vperm.xlane v46, v3;
	v50 =	vperm.xlane v41, v3;
	v45 =	vadd.f32 v49, v45  }
0xaf: {  	v52 =	vperm.xlane v42, v3;
	v49 =	vperm.xlane v44, v3;
	v43 =	vadd.f32 v48, v43  }
0xb0: {  	v46 =	vadd.f32 v51, v46;
	v41 =	vadd.f32 v50, v41;
	v48 =	vperm.xlane v45, v3  }
0xb1: {  	v42 =	vadd.f32 v52, v42;
	v44 =	vadd.f32 v49, v44;
	v49 =	vperm.xlane v43, v3  }
0xb2: {  	v46 =	vmul.f32 $7.812500000e-03, v46;
	v41 =	vmul.f32 $7.812500000e-03, v41;
	v45 =	vadd.f32 v48, v45  }
0xb3: {  	v42 =	vmul.f32 $7.812500000e-03, v42;
	v44 =	vmul.f32 $7.812500000e-03, v44;
	v43 =	vadd.f32 v49, v43  }
0xb4: {  	v48 =	vmul.f32 v41, v41;
	v49 =	vsub.f32 v30, v41;
	v30 =	vmul.f32 $7.812500000e-03, v45  }
0xb5: {  	v20 =	vsub.f32 v20, v41;
	v45 =	vmul.f32 v46, v46;
	v43 =	vmul.f32 $7.812500000e-03, v43  }
0xb6: {  	v44 =	vsub.f32 v44, v48;
	v48 =	vsub.f32 v31, v41;
	v31 =	vmul.f32 v42, v42  }
0xb7: {  	v10 =	vmul.f32 v4, v10;
	v50 =	vsub.f32 v35, v41;
	v30 =	vsub.f32 v30, v45  }
0xb8: {  	v11 =	vmul.f32 v4, v11;
	v35 =	vadd.f32 $9.999999960e-13, v44;
	v31 =	vsub.f32 v43, v31  }
0xb9: {  	v9 =	vmul.f32 v4, v9;
	v43 =	vsub.f32 v38, v41;
	v30 =	vadd.f32 $9.999999960e-13, v30;
	[tilespmem:s24+$0xB0] =	vst v10  }
0xba: {  	v10 =	vshrl.u32 v35, $0x1;
	v35 =	vmul.f32 $5.000000000e-01, v35;
	v31 =	vadd.f32 $9.999999960e-13, v31;
	[tilespmem:s24+$0xC0] =	vst v11  }
0xbb: {  	v10 =	vsub.s32 $0x5F3759DF, v10;
	v11 =	vshrl.u32 v30, $0x1;
	v30 =	vmul.f32 $5.000000000e-01, v30;
	[tilespmem:s24+$0xD0] =	vst v9  }
0xbc: {  	v9 =	vsub.s32 $0x5F3759DF, v11;
	v11 =	vshrl.u32 v31, $0x1;
	v31 =	vmul.f32 $5.000000000e-01, v31  }
0xbd: {  	v35 =	vmul.f32 v10, v35;
	v30 =	vmul.f32 v9, v30;
	v11 =	vsub.s32 $0x5F3759DF, v11  }
0xbe: {  	v45 =	vsub.f32 v39, v41;
	v44 =	vsub.f32 v36, v41;
	v31 =	vmul.f32 v11, v31  }
0xbf: {  	v41 =	vsub.f32 v40, v41;
	v35 =	vmul.f32 v10, v35;
	v30 =	vmul.f32 v9, v30  }
0xc0: {  	v17 =	vsub.f32 v17, v46;
	v51 =	vsub.f32 v19, v46;
	v19 =	vmul.f32 v11, v31  }
0xc1: {  	v5 =	vmul.f32 v4, v5;
	v4 =	vmovc v47;
	v31 =	vsub.f32 $1.500000000e+00, v35;
	v30 =	vsub.f32 $1.500000000e+00, v30  }
0xc2: {  	v35 =	vsub.f32 v22, v46;
	v19 =	vsub.f32 $1.500000000e+00, v19  }
0xc3: {  	v40 =	vsub.f32 v24, v46;
	v47 =	vmul.f32 v10, v31;
	v30 =	vmul.f32 v9, v30;
	[tilespmem:s24+$0xE0] =	vst v5;
	s24 =	smov.u32 s23  }
0xc4: {  	v29 =	vsub.f32 v29, v46;
	v38 =	vsub.f32 v26, v46;
	v22 =	vmul.f32 v11, v19  }
0xc5: {  	v39 =	vsub.f32 v34, v46;
	v31 =	vsub.f32 v37, v46;
	v5 =	vmul.f32 v47, v49  }
0xc6: {  	v34 =	vsub.f32 v16, v42;
	v9 =	vmul.f32 v47, v20;
	v19 =	vsub.f32 v18, v42  }
0xc7: {  	v36 =	vsub.f32 v21, v42;
	v26 =	vsub.f32 v23, v42;
	[tilespmem:s23+$0xFFFFFF00] =	vst v5;
	v5 =	vmul.f32 v47, v48  }
0xc8: {  	v27 =	vsub.f32 v27, v42;
	v37 =	vsub.f32 v25, v42;
	[tilespmem:s23+$0xFFFFFF10] =	vst v9;
	v9 =	vmul.f32 v47, v50  }
.Ltmp0:
0xc9: {  	v16 =	vsub.f32 v28, v42;
	v18 =	vsub.f32 v32, v42;
	[tilespmem:s23+$0xFFFFFF20] =	vst v5;
	v5 =	vmul.f32 v47, v43;
	(pc) =	sbr.rel @p1 .LBB2_3-.Ltmp0, $4  }
0xca: {  	v24 =	vsub.f32 v6, v33;
	v23 =	vsub.f32 v7, v33;
	[tilespmem:s23+$0xFFFFFF30] =	vst v9;
	v9 =	vmul.f32 v47, v44  }
0xcb: {  	v21 =	vsub.f32 v8, v33;
	v10 =	vsub.f32 v12, v33;
	[tilespmem:s23+$0xFFFFFF40] =	vst v5;
	v5 =	vmul.f32 v47, v45  }
0xcc: {  	v7 =	vmul.f32 v47, v41;
	v11 =	vsub.f32 v13, v33;
	[tilespmem:s23+$0xFFFFFF50] =	vst v9;
	v9 =	vsub.f32 v14, v33  }
0xcd: {  	s26 =	sadd.s32 $0x200, s26;
	v12 =	vmul.f32 v30, v17;
	v8 =	vmul.f32 v30, v51;
	[tilespmem:s23+$0xFFFFFF60] =	vst v5;
	v5 =	vsub.f32 v15, v33  }
0xce: {  	[tilespmem:s23+$0xFFFFFF70] =	vst v7  }
0xcf: {  	v6 =	vmul.f32 v30, v35;
	[tilespmem:s23+$0xFFFFFF80] =	vst v12  }
0xd0: {  	v7 =	vmul.f32 v30, v40;
	[tilespmem:s23+$0xFFFFFF90] =	vst v8  }
0xd1: {  	v8 =	vmul.f32 v30, v38;
	[tilespmem:s23+$0xFFFFFFA0] =	vst v6  }
0xd2: {  	v6 =	vmul.f32 v30, v29;
	[tilespmem:s23+$0xFFFFFFB0] =	vst v7  }
0xd3: {  	v7 =	vmul.f32 v30, v39;
	[tilespmem:s23+$0xFFFFFFC0] =	vst v8  }
0xd4: {  	v8 =	vmul.f32 v30, v31;
	[tilespmem:s23+$0xFFFFFFD0] =	vst v6  }
0xd5: {  	v6 =	vmul.f32 v22, v34;
	[tilespmem:s23+$0xFFFFFFE0] =	vst v7  }
0xd6: {  	v7 =	vmul.f32 v22, v19;
	[tilespmem:s23+$0xFFFFFFF0] =	vst v8  }
0xd7: {  	v8 =	vmul.f32 v22, v36;
	[tilespmem:s23+$0x0] =	vst v6  }
0xd8: {  	v6 =	vmul.f32 v22, v26;
	[tilespmem:s23+$0x10] =	vst v7  }
0xd9: {  	v7 =	vmul.f32 v22, v37;
	[tilespmem:s23+$0x20] =	vst v8  }
0xda: {  	v8 =	vmul.f32 v22, v27;
	[tilespmem:s23+$0x30] =	vst v6  }
0xdb: {  	v6 =	vmul.f32 v22, v16;
	[tilespmem:s23+$0x40] =	vst v7  }
0xdc: {  	v7 =	vmul.f32 v22, v18;
	[tilespmem:s23+$0x50] =	vst v8  }
0xdd: {  	v8 =	vmul.f32 v4, v24;
	[tilespmem:s23+$0x60] =	vst v6  }
0xde: {  	v6 =	vmul.f32 v4, v23;
	[tilespmem:s23+$0x70] =	vst v7  }
0xdf: {  	v7 =	vmul.f32 v4, v21;
	[tilespmem:s23+$0x80] =	vst v8  }
0xe0: {  	[tilespmem:s23+$0x90] =	vst v6;
	v6 =	vmul.f32 v4, v10  }
0xe1: {  	s29 =	sadd.s32 s22, s8;
	[tilespmem:s23+$0xA0] =	vst v7;
	v7 =	vmul.f32 v4, v11  }
0xe2: {  	s23 =	sshll.u32 s29, $0x7;
	[tilespmem:s24+$0xB0] =	vst v6;
	v6 =	vmul.f32 v4, v9  }
0xe3: {  	s23 =	smin.u32 s23, $0x18620;
	[tilespmem:s24+$0xC0] =	vst v7;
	v4 =	vmul.f32 v4, v5  }
0xe4: {  	s23 =	sshll.u32 s23, $0x4;
	[tilespmem:s24+$0xD0] =	vst v6  }
0xe5: {  	s30 =	sadd.s32 s5, s22;
	s23 =	sadd.s32 s1, s23;
	[tilespmem:s24+$0xE0] =	vst v4  }
0xe6: {  	[tilespmem:s3], [sflag:$0x1] =	stream.linear.gather [hbm4b:s23+s3], $0x4000, $0x38;
	[tilespmem:$0x10000] =	vst v63  }
0xe7: {  	s23 =	sshll.u32 s30, $0x7  }
0xe8: {  	s23 =	smin.u32 s23, $0x18620  }
0xe9: {  	s23 =	sshll.u32 s23, $0x4  }
0xea: {  	s23 =	sadd.s32 s2, s23  }
0xeb: {  	[hbm4b:s23+s3] =	stream.linear.scatter [tilespmem:s15], [sflag:$0x3], $0x4000, $0x38;
	[tilespmem:$0x10000] =	vst v63  }
0xec: {  	_ =	swait.ge [sflag:s16], $0x4000  }
0xed: {  	[sflag:s16] =	ssyncset.done $0x0  }
0xee: {  	s23 =	simm.s32 @!p0 $0x4;
	[sflag:s16] =	ssyncadd.s32 $0xFFFFC000  }
0xef: {  	_ =	swait.ge @!p0 [sflag:s23], $0x4000  }
0xf0: {  	[sflag:s23] =	ssyncset.done @!p0 $0x0  }
0xf1: {  	s31 =	simm.s32 $0x4100;
	[sflag:s23] =	ssyncadd.s32 @!p0 $0xFFFFC000  }
0xf2: {  	v6 =	vld [tilespmem:s31+$0x80]  }
0xf3: {  	v7 =	vld [tilespmem:s31+$0x90]  }
0xf4: {  	v4 =	vld [tilespmem:s31+$0xFFFFFF10]  }
0xf5: {  	v5 =	vld [tilespmem:s31+$0xA0]  }
0xf6: {  	v14 =	vld [tilespmem:s31+$0xFFFFFF80]  }
0xf7: {  	v8 =	vld [tilespmem:s31+$0xB0]  }
0xf8: {  	v15 =	vld [tilespmem:s31+$0xFFFFFF90]  }
0xf9: {  	v9 =	vld [tilespmem:s31+$0xC0]  }
0xfa: {  	v21 =	vld [tilespmem:s31+$0xFFFFFF00];
	v11 =	vmul.f32 v6, v6;
	v12 =	vadd.f32 v7, v6;
	v13 =	vmul.f32 v7, v7  }
0xfb: {  	v10 =	vld [tilespmem:s31+$0x0];
	v17 =	vmul.f32 v5, v5  }
0xfc: {  	v18 =	vmul.f32 v8, v8;
	v13 =	vadd.f32 v13, v11;
	v16 =	vadd.f32 v5, v12;
	v12 =	vld [tilespmem:s31+$0xD0]  }
0xfd: {  	v19 =	vmul.f32 v14, v14;
	v20 =	vmul.f32 v15, v15;
	v11 =	vld [tilespmem:s31+$0x10]  }
0xfe: {  	v23 =	vld [tilespmem:s31+$0xFFFFFF20];
	v22 =	vmul.f32 v4, v4;
	v24 =	vadd.f32 v15, v14;
	v17 =	vadd.f32 v17, v13  }
0xff: {  	v29 =	vmul.f32 v21, v21;
	v30 =	vadd.f32 v4, v21;
	v16 =	vadd.f32 v8, v16;
	v13 =	vld [tilespmem:s31+$0xE0]  }
0x100: {  	v20 =	vadd.f32 v20, v19;
	v17 =	vadd.f32 v18, v17;
	v18 =	vmul.f32 v9, v9  }
0x101: {  	v34 =	vld [tilespmem:s31+$0xF0];
	v26 =	vmul.f32 v10, v10;
	v22 =	vadd.f32 v22, v29;
	v16 =	vadd.f32 v9, v16  }
0x102: {  	v25 =	vmul.f32 v12, v12;
	v28 =	vmul.f32 v11, v11;
	v17 =	vadd.f32 v18, v17;
	v18 =	vld [tilespmem:s31+$0xFFFFFFA0]  }
0x103: {  	v33 =	vmul.f32 v23, v23;
	v30 =	vadd.f32 v23, v30;
	v19 =	vadd.f32 v12, v16;
	v16 =	vld [tilespmem:s31+$0x20]  }
0x104: {  	v28 =	vadd.f32 v28, v26;
	v26 =	vld [tilespmem:s31+$0xFFFFFF30];
	v17 =	vadd.f32 v25, v17;
	v25 =	vmul.f32 v13, v13  }
0x105: {  	v29 =	vld [tilespmem:s31+$0xFFFFFF40];
	v33 =	vadd.f32 v33, v22;
	v19 =	vadd.f32 v13, v19  }
0x106: {  	v32 =	vmul.f32 v34, v34;
	v27 =	vadd.f32 v11, v10;
	v25 =	vadd.f32 v25, v17  }
0x107: {  	v31 =	vadd.f32 v34, v19;
	v19 =	vld [tilespmem:s31+$0xFFFFFFB0];
	v24 =	vadd.f32 v18, v24;
	v59 =	vmul.f32 v18, v18  }
0x108: {  	v17 =	vld [tilespmem:s31+$0x30];
	v27 =	vadd.f32 v16, v27;
	v60 =	vmul.f32 v16, v16;
	v25 =	vadd.f32 v32, v25  }
0x109: {  	v58 =	vperm.xlane v31, v0;
	v62 =	vadd.f32 v26, v30;
	v63 =	vmul.f32 v26, v26  }
0x10a: {  	v22 =	vld [tilespmem:s31+$0xFFFFFFC0];
	v48 =	vmul.f32 v29, v29;
	v35 =	vadd.f32 v59, v20;
	v28 =	vadd.f32 v60, v28  }
0x10b: {  	v30 =	vld [tilespmem:s31+$0xFFFFFF50];
	v31 =	vadd.f32 v58, v31;
	v61 =	vperm.xlane v25, v0;
	v33 =	vadd.f32 v63, v33  }
0x10c: {  	v20 =	vld [tilespmem:s31+$0x40];
	v37 =	vadd.f32 v29, v62;
	v44 =	vadd.f32 v19, v24;
	v45 =	vmul.f32 v19, v19  }
0x10d: {  	v46 =	vadd.f32 v17, v27;
	v47 =	vmul.f32 v17, v17;
	v25 =	vadd.f32 v61, v25  }
0x10e: {  	v27 =	vld [tilespmem:s31+$0xFFFFFFD0];
	v24 =	vperm.xlane v31, v1;
	v33 =	vadd.f32 v48, v33;
	v32 =	vadd.f32 v45, v35  }
0x10f: {  	v39 =	vadd.f32 v22, v44;
	v28 =	vadd.f32 v47, v28  }
0x110: {  	v35 =	vld [tilespmem:s31+$0xFFFFFF60];
	v42 =	vmul.f32 v30, v30;
	v31 =	vadd.f32 v24, v31;
	v24 =	vperm.xlane v25, v1  }
0x111: {  	v41 =	vmul.f32 v22, v22;
	v37 =	vadd.f32 v30, v37;
	v36 =	vadd.f32 v20, v46  }
0x112: {  	v53 =	vadd.f32 v42, v33;
	v42 =	vld [tilespmem:s31+$0xFFFFFF70];
	v49 =	vperm.xlane v31, v2;
	v25 =	vadd.f32 v24, v25  }
0x113: {  	v51 =	vmul.f32 v20, v20;
	v41 =	vadd.f32 v41, v32;
	v24 =	vld [tilespmem:s31+$0x50];
	v39 =	vadd.f32 v27, v39  }
0x114: {  	v44 =	vmul.f32 v27, v27;
	v50 =	vadd.f32 v49, v31;
	v31 =	vperm.xlane v25, v2  }
0x115: {  	v38 =	vadd.f32 v51, v28;
	v28 =	vld [tilespmem:s31+$0x60];
	v37 =	vadd.f32 v35, v37;
	v46 =	vmul.f32 v35, v35  }
0x116: {  	v41 =	vadd.f32 v44, v41;
	v25 =	vadd.f32 v31, v25;
	v52 =	vperm.xlane v50, v3  }
0x117: {  	v31 =	vld [tilespmem:s31+$0xFFFFFFE0];
	v40 =	vadd.f32 v46, v53;
	v56 =	vmul.f32 v42, v42;
	v37 =	vadd.f32 v42, v37  }
0x118: {  	v36 =	vadd.f32 v24, v36;
	v45 =	vmul.f32 v24, v24;
	v43 =	vperm.xlane v25, v3  }
0x119: {  	v32 =	vadd.f32 v52, v50;
	v59 =	vperm.xlane v37, v0;
	v40 =	vadd.f32 v56, v40  }
0x11a: {  	v33 =	vld [tilespmem:s31+$0xFFFFFFF0];
	v47 =	vmul.f32 v28, v28;
	v38 =	vadd.f32 v45, v38;
	v36 =	vadd.f32 v28, v36  }
0x11b: {  	v43 =	vadd.f32 v43, v25;
	v25 =	vmul.f32 $7.812500000e-03, v32;
	v37 =	vadd.f32 v59, v37  }
0x11c: {  	v32 =	vld [tilespmem:s31+$0x70];
	v63 =	vperm.xlane v40, v0;
	v39 =	vadd.f32 v31, v39;
	v55 =	vmul.f32 v31, v31  }
0x11d: {  	v38 =	vadd.f32 v47, v38;
	v43 =	vmul.f32 $7.812500000e-03, v43;
	v54 =	vmul.f32 v25, v25  }
0x11e: {  	v49 =	vperm.xlane v37, v1;
	v40 =	vadd.f32 v63, v40;
	v34 =	vsub.f32 v34, v25  }
0x11f: {  	v41 =	vadd.f32 v55, v41;
	v39 =	vadd.f32 v33, v39  }
0x120: {  	v57 =	vmul.f32 v33, v33;
	v43 =	vsub.f32 v43, v54;
	v37 =	vadd.f32 v49, v37  }
0x121: {  	v53 =	vperm.xlane v40, v1;
	v58 =	vmul.f32 v32, v32;
	v36 =	vadd.f32 v32, v36  }
0x122: {  	v41 =	vadd.f32 v57, v41;
	v61 =	vperm.xlane v39, v0;
	v43 =	vadd.f32 $9.999999960e-13, v43  }
0x123: {  	v40 =	vadd.f32 v53, v40;
	v56 =	vperm.xlane v37, v2;
	v38 =	vadd.f32 v58, v38  }
0x124: {  	v62 =	vperm.xlane v36, v0;
	v39 =	vadd.f32 v61, v39;
	v48 =	vperm.xlane v41, v0  }
0x125: {  	v60 =	vshrl.u32 v43, $0x1;
	v43 =	vmul.f32 $5.000000000e-01, v43;
	v57 =	vperm.xlane v40, v2  }
0x126: {  	v37 =	vadd.f32 v56, v37;
	v46 =	vsub.s32 $0x5F3759DF, v60;
	v36 =	vadd.f32 v62, v36  }
0x127: {  	v50 =	vperm.xlane v38, v0;
	v41 =	vadd.f32 v48, v41;
	v51 =	vperm.xlane v39, v1  }
0x128: {  	v43 =	vmul.f32 v46, v43;
	v40 =	vadd.f32 v57, v40;
	v61 =	vperm.xlane v37, v3  }
0x129: {  	v52 =	vperm.xlane v36, v1;
	v38 =	vadd.f32 v50, v38;
	v54 =	vperm.xlane v41, v1  }
0x12a: {  	v39 =	vadd.f32 v51, v39;
	v43 =	vmul.f32 v46, v43;
	v62 =	vperm.xlane v40, v3  }
0x12b: {  	v37 =	vadd.f32 v61, v37;
	v36 =	vadd.f32 v52, v36;
	v55 =	vperm.xlane v38, v1  }
0x12c: {  	v48 =	vperm.xlane v39, v2;
	v41 =	vadd.f32 v54, v41;
	v43 =	vsub.f32 $1.500000000e+00, v43  }
0x12d: {  	v40 =	vadd.f32 v62, v40;
	v37 =	vmul.f32 $7.812500000e-03, v37;
	v38 =	vadd.f32 v55, v38  }
0x12e: {  	v58 =	vperm.xlane v36, v2;
	v39 =	vadd.f32 v48, v39;
	v59 =	vperm.xlane v41, v2  }
0x12f: {  	v40 =	vmul.f32 $7.812500000e-03, v40;
	v53 =	vmul.f32 v37, v37;
	v21 =	vsub.f32 v21, v37  }
0x130: {  	v54 =	vsub.f32 v4, v37;
	v36 =	vadd.f32 v58, v36;
	v60 =	vperm.xlane v38, v2  }
0x131: {  	v23 =	vsub.f32 v23, v37;
	v48 =	vperm.xlane v39, v3;
	v41 =	vadd.f32 v59, v41  }
0x132: {  	v56 =	vsub.f32 v26, v37;
	v38 =	vadd.f32 v60, v38;
	v63 =	vperm.xlane v36, v3  }
0x133: {  	v57 =	vsub.f32 v29, v37;
	v39 =	vadd.f32 v48, v39;
	v49 =	vperm.xlane v41, v3  }
0x134: {  	v61 =	vsub.f32 v30, v37;
	v36 =	vadd.f32 v63, v36;
	v50 =	vperm.xlane v38, v3  }
0x135: {  	v42 =	vsub.f32 v42, v37;
	v47 =	vmul.f32 $7.812500000e-03, v39;
	v51 =	vadd.f32 v49, v41  }
0x136: {  	v49 =	vsub.f32 v35, v37;
	v41 =	vmul.f32 $7.812500000e-03, v36;
	v52 =	vadd.f32 v50, v38  }
0x137: {  	v39 =	vmul.f32 $7.812500000e-03, v51;
	v4 =	vmul.f32 v47, v47;
	v38 =	vsub.f32 v40, v53  }
0x138: {  	v14 =	vsub.f32 v14, v47;
	v36 =	vmul.f32 $7.812500000e-03, v52;
	v55 =	vmul.f32 v41, v41  }
0x139: {  	v26 =	vsub.f32 v39, v4;
	v38 =	vadd.f32 $9.999999960e-13, v38  }
0x13a: {  	v15 =	vsub.f32 v15, v47;
	v36 =	vsub.f32 v36, v55  }
0x13b: {  	v26 =	vadd.f32 $9.999999960e-13, v26;
	v29 =	vshrl.u32 v38, $0x1;
	v38 =	vmul.f32 $5.000000000e-01, v38  }
0x13c: {  	v35 =	vsub.f32 v18, v47;
	v40 =	vsub.f32 v19, v47;
	v29 =	vsub.s32 $0x5F3759DF, v29  }
0x13d: {  	v36 =	vadd.f32 $9.999999960e-13, v36;
	v58 =	vshrl.u32 v26, $0x1;
	v38 =	vmul.f32 v29, v38  }
0x13e: {  	v4 =	vmul.f32 v46, v43;
	v26 =	vmul.f32 $5.000000000e-01, v26;
	v39 =	vsub.s32 $0x5F3759DF, v58  }
0x13f: {  	v59 =	vshrl.u32 v36, $0x1;
	v36 =	vmul.f32 $5.000000000e-01, v36;
	v62 =	vmul.f32 v29, v38  }
0x140: {  	v34 =	vmul.f32 v4, v34;
	v26 =	vmul.f32 v39, v26;
	v60 =	vsub.s32 $0x5F3759DF, v59  }
0x141: {  	s23 =	simm.s32 $0xC100;
	v19 =	vsub.f32 v11, v41;
	v30 =	vmul.f32 v60, v36;
	v63 =	vsub.f32 $1.500000000e+00, v62  }
0x142: {  	v37 =	vsub.f32 v20, v41;
	[tilespmem:s23+$0xF0] =	vst v34;
	v34 =	vsub.f32 v10, v41;
	v26 =	vmul.f32 v39, v26  }
0x143: {  	v38 =	vsub.f32 v22, v47;
	v30 =	vmul.f32 v60, v30;
	v50 =	vmul.f32 v29, v63  }
0x144: {  	v36 =	vsub.f32 v16, v41;
	v16 =	vsub.f32 v28, v41  }
0x145: {  	v26 =	vsub.f32 $1.500000000e+00, v26;
	v18 =	vsub.f32 $1.500000000e+00, v30;
	v10 =	vmul.f32 v50, v23  }
0x146: {  	v29 =	vsub.f32 v27, v47;
	v27 =	vsub.f32 v24, v41;
	v11 =	vmul.f32 v50, v56  }
0x147: {  	v24 =	vsub.f32 v6, v25;
	v22 =	vmul.f32 v60, v18;
	v18 =	vmul.f32 v50, v21;
	[tilespmem:s23+$0xFFFFFF20] =	vst v10  }
0x148: {  	v30 =	vmul.f32 v39, v26;
	v39 =	vsub.f32 v31, v47;
	v21 =	vmul.f32 v50, v54;
	[tilespmem:s23+$0xFFFFFF30] =	vst v11  }
0x149: {  	v31 =	vsub.f32 v33, v47;
	v26 =	vsub.f32 v17, v41;
	v10 =	vmul.f32 v50, v57;
	[tilespmem:s23+$0xFFFFFF00] =	vst v18  }
0x14a: {  	v23 =	vsub.f32 v7, v25;
	v11 =	vmul.f32 v50, v61;
	[tilespmem:s23+$0xFFFFFF10] =	vst v21;
	v18 =	vsub.f32 v32, v41  }
0x14b: {  	v6 =	vmul.f32 v50, v49;
	[tilespmem:s23+$0xFFFFFF40] =	vst v10;
	v21 =	vsub.f32 v5, v25;
	v10 =	vsub.f32 v8, v25  }
0x14c: {  	v7 =	vmul.f32 v50, v42;
	[tilespmem:s23+$0xFFFFFF50] =	vst v11;
	v11 =	vsub.f32 v9, v25;
	v9 =	vsub.f32 v12, v25  }
0x14d: {  	s25 =	simm.s32 $0x0;
	s26 =	simm.s32 $0x4300;
	s24 =	simm.s32 $0xC100;
	[tilespmem:s23+$0xFFFFFF60] =	vst v6;
	v12 =	vmul.f32 v30, v14;
	v8 =	vmul.f32 v30, v15;
	v5 =	vsub.f32 v13, v25  }
.LBB2_5:
0x14e: {  	v6 =	vld [tilespmem:s26+$0x80];
	[tilespmem:s23+$0xFFFFFF70] =	vst v7;
	v13 =	vmul.f32 v30, v35;
	v14 =	vmul.f32 v30, v40  }
0x14f: {  	s25 =	sadd.s32 $0x4, s25;
	v15 =	vmul.f32 v30, v38;
	v25 =	vmul.f32 v30, v29;
	v7 =	vld [tilespmem:s26+$0x90];
	[tilespmem:s23+$0xFFFFFF80] =	vst v12  }
0x150: {  	v28 =	vmul.f32 v30, v39;
	v29 =	vmul.f32 v30, v31;
	p0 =	slt.u32 s25, $0x7C;
	v20 =	vld [tilespmem:s26+$0xFFFFFF10];
	[tilespmem:s23+$0xFFFFFF90] =	vst v8  }
0x151: {  	v30 =	vmul.f32 v22, v34;
	v31 =	vmul.f32 v22, v19;
	v8 =	vld [tilespmem:s26+$0xA0];
	[tilespmem:s23+$0xFFFFFFA0] =	vst v13  }
0x152: {  	v32 =	vmul.f32 v22, v36;
	v26 =	vmul.f32 v22, v26;
	v17 =	vld [tilespmem:s26+$0xFFFFFF80];
	[tilespmem:s23+$0xFFFFFFB0] =	vst v14  }
0x153: {  	v33 =	vmul.f32 v22, v37;
	v27 =	vmul.f32 v22, v27;
	v12 =	vld [tilespmem:s26+$0xB0];
	[tilespmem:s23+$0xFFFFFFC0] =	vst v15  }
0x154: {  	v14 =	vmul.f32 v6, v6;
	v19 =	vld [tilespmem:s26+$0xFFFFFF90];
	v15 =	vadd.f32 v7, v6;
	v34 =	vmul.f32 v7, v7;
	[tilespmem:s23+$0xFFFFFFD0] =	vst v25  }
0x155: {  	v25 =	vmul.f32 v20, v20;
	v13 =	vld [tilespmem:s26+$0xC0];
	[tilespmem:s23+$0xFFFFFFE0] =	vst v28;
	v28 =	vmul.f32 v22, v16  }
0x156: {  	v16 =	vld [tilespmem:s26+$0x0];
	v34 =	vadd.f32 v34, v14;
	v15 =	vadd.f32 v8, v15;
	v35 =	vmul.f32 v8, v8;
	[tilespmem:s23+$0xFFFFFFF0] =	vst v29  }
0x157: {  	v36 =	vmul.f32 v22, v18;
	v29 =	vmul.f32 v17, v17;
	v14 =	vld [tilespmem:s26+$0xD0];
	[tilespmem:s23+$0x0] =	vst v30  }
0x158: {  	v18 =	vld [tilespmem:s26+$0x10];
	v22 =	vadd.f32 v35, v34;
	v34 =	vadd.f32 v12, v15;
	v35 =	vmul.f32 v12, v12;
	[tilespmem:s23+$0x10] =	vst v31  }
0x159: {  	v24 =	vmul.f32 v4, v24;
	v37 =	vadd.f32 v19, v17;
	v31 =	vmul.f32 v19, v19;
	v15 =	vld [tilespmem:s26+$0xE0];
	[tilespmem:s23+$0x20] =	vst v32  }
0x15a: {  	v30 =	vld [tilespmem:s26+$0xFFFFFF00];
	v22 =	vadd.f32 v35, v22;
	v32 =	vadd.f32 v13, v34;
	v34 =	vmul.f32 v13, v13;
	[tilespmem:s23+$0x30] =	vst v26  }
0x15b: {  	v23 =	vmul.f32 v4, v23;
	v29 =	vadd.f32 v31, v29;
	v26 =	vmul.f32 v16, v16;
	v41 =	vld [tilespmem:s26+$0xF0];
	[tilespmem:s23+$0x40] =	vst v33  }
0x15c: {  	v31 =	vld [tilespmem:s26+$0xFFFFFF20];
	v33 =	vadd.f32 v34, v22;
	v32 =	vadd.f32 v14, v32;
	v34 =	vmul.f32 v14, v14;
	[tilespmem:s23+$0x50] =	vst v27  }
0x15d: {  	v22 =	vld [tilespmem:s26+$0xFFFFFFA0];
	v27 =	vadd.f32 v18, v16;
	v38 =	vmul.f32 v18, v18;
	[tilespmem:s23+$0x60] =	vst v28;
	v28 =	vmul.f32 v4, v21  }
0x15e: {  	v21 =	vld [tilespmem:s26+$0x20];
	v33 =	vadd.f32 v34, v33;
	v32 =	vadd.f32 v15, v32;
	v34 =	vmul.f32 v15, v15;
	[tilespmem:s23+$0x70] =	vst v36  }
0x15f: {  	v35 =	vld [tilespmem:s26+$0xFFFFFF30];
	v36 =	vmul.f32 v30, v30;
	v39 =	vadd.f32 v20, v30;
	v40 =	vadd.f32 v38, v26;
	[tilespmem:s23+$0x80] =	vst v24  }
0x160: {  	v24 =	vld [tilespmem:s26+$0xFFFFFFB0];
	v26 =	vadd.f32 v34, v33;
	v32 =	vadd.f32 v41, v32;
	v33 =	vmul.f32 v41, v41;
	[tilespmem:s23+$0x90] =	vst v23  }
0x161: {  	v25 =	vadd.f32 v25, v36;
	v34 =	vadd.f32 v31, v39;
	v36 =	vmul.f32 v31, v31;
	v23 =	vld [tilespmem:s26+$0x30];
	[tilespmem:s23+$0xA0] =	vst v28  }
0x162: {  	v38 =	vld [tilespmem:s26+$0xFFFFFF40];
	v28 =	vadd.f32 v22, v37;
	v33 =	vadd.f32 v33, v26;
	v37 =	vperm.xlane v32, v0  }
0x163: {  	v39 =	vmul.f32 v22, v22;
	v26 =	vld [tilespmem:s26+$0xFFFFFFC0];
	v42 =	vadd.f32 v21, v27;
	v43 =	vmul.f32 v21, v21  }
0x164: {  	v44 =	vadd.f32 v36, v25;
	v25 =	vld [tilespmem:s26+$0x40];
	v32 =	vadd.f32 v37, v32;
	v27 =	vperm.xlane v33, v0  }
0x165: {  	v34 =	vadd.f32 v35, v34;
	v37 =	vmul.f32 v35, v35;
	v45 =	vadd.f32 v39, v29;
	v36 =	vld [tilespmem:s26+$0xFFFFFF50]  }
0x166: {  	v46 =	vadd.f32 v24, v28;
	v29 =	vld [tilespmem:s26+$0xFFFFFFD0];
	v28 =	vperm.xlane v32, v1;
	v33 =	vadd.f32 v27, v33  }
0x167: {  	v47 =	vmul.f32 v24, v24;
	v43 =	vadd.f32 v43, v40;
	v42 =	vadd.f32 v23, v42;
	v27 =	vld [tilespmem:s26+$0x50]  }
0x168: {  	v48 =	vmul.f32 v23, v23;
	v39 =	vld [tilespmem:s26+$0xFFFFFF60];
	v32 =	vadd.f32 v28, v32;
	v40 =	vperm.xlane v33, v1  }
0x169: {  	v44 =	vadd.f32 v37, v44;
	v49 =	vadd.f32 v38, v34;
	v50 =	vmul.f32 v38, v38;
	v34 =	vld [tilespmem:s26+$0xFFFFFFE0]  }
0x16a: {  	v45 =	vadd.f32 v47, v45;
	v28 =	vld [tilespmem:s26+$0x60];
	v47 =	vperm.xlane v32, v2;
	v33 =	vadd.f32 v40, v33  }
0x16b: {  	v46 =	vadd.f32 v26, v46;
	v51 =	vmul.f32 v26, v26;
	v43 =	vadd.f32 v48, v43;
	v40 =	vld [tilespmem:s26+$0xFFFFFF70]  }
0x16c: {  	v42 =	vadd.f32 v25, v42;
	v37 =	vld [tilespmem:s26+$0xFFFFFFF0];
	v47 =	vadd.f32 v47, v32;
	v48 =	vperm.xlane v33, v2  }
0x16d: {  	v44 =	vadd.f32 v50, v44;
	v50 =	vmul.f32 v25, v25;
	v49 =	vadd.f32 v36, v49;
	v32 =	vld [tilespmem:s26+$0x70]  }
0x16e: {  	v45 =	vadd.f32 v51, v45;
	v51 =	vperm.xlane v47, v3;
	v48 =	vadd.f32 v48, v33  }
0x16f: {  	v46 =	vadd.f32 v29, v46;
	v43 =	vadd.f32 v50, v43;
	v33 =	vmul.f32 v36, v36  }
0x170: {  	v42 =	vadd.f32 v27, v42;
	v47 =	vadd.f32 v51, v47;
	v50 =	vperm.xlane v48, v3  }
0x171: {  	v52 =	vmul.f32 v27, v27;
	v44 =	vadd.f32 v33, v44;
	v51 =	vmul.f32 v29, v29  }
0x172: {  	v49 =	vadd.f32 v39, v49;
	v33 =	vmul.f32 $7.812500000e-03, v47;
	v47 =	vadd.f32 v50, v48  }
0x173: {  	v46 =	vadd.f32 v34, v46;
	v48 =	vmul.f32 v39, v39;
	v45 =	vadd.f32 v51, v45  }
0x174: {  	v43 =	vadd.f32 v52, v43;
	v47 =	vmul.f32 $7.812500000e-03, v47;
	v50 =	vmul.f32 v33, v33  }
0x175: {  	v42 =	vadd.f32 v28, v42;
	v52 =	vmul.f32 v28, v28;
	v51 =	vmul.f32 v34, v34  }
0x176: {  	v44 =	vadd.f32 v48, v44;
	v48 =	vmul.f32 v40, v40;
	v47 =	vsub.f32 v47, v50  }
0x177: {  	v49 =	vadd.f32 v40, v49;
	v45 =	vadd.f32 v51, v45;
	v50 =	vmul.f32 v37, v37  }
0x178: {  	v46 =	vadd.f32 v37, v46;
	v51 =	vmul.f32 v32, v32;
	v47 =	vadd.f32 $9.999999960e-13, v47  }
0x179: {  	v43 =	vadd.f32 v52, v43;
	v53 =	vperm.xlane v49, v0;
	v42 =	vadd.f32 v32, v42  }
0x17a: {  	v44 =	vadd.f32 v48, v44;
	v48 =	vshrl.u32 v47, $0x1;
	v47 =	vmul.f32 $5.000000000e-01, v47  }
0x17b: {  	v45 =	vadd.f32 v50, v45;
	v50 =	vperm.xlane v46, v0;
	v48 =	vsub.s32 $0x5F3759DF, v48  }
0x17c: {  	v43 =	vadd.f32 v51, v43;
	v51 =	vperm.xlane v42, v0;
	v47 =	vmul.f32 v48, v47  }
0x17d: {  	v49 =	vadd.f32 v53, v49;
	v52 =	vperm.xlane v44, v0;
	v46 =	vadd.f32 v50, v46  }
0x17e: {  	v42 =	vadd.f32 v51, v42;
	v50 =	vperm.xlane v45, v0;
	v47 =	vmul.f32 v48, v47  }
0x17f: {  	v51 =	vperm.xlane v49, v1;
	v44 =	vadd.f32 v52, v44;
	v52 =	vperm.xlane v43, v0  }
0x180: {  	v53 =	vperm.xlane v46, v1;
	v45 =	vadd.f32 v50, v45;
	v47 =	vsub.f32 $1.500000000e+00, v47  }
0x181: {  	v49 =	vadd.f32 v51, v49;
	v50 =	vperm.xlane v42, v1;
	v43 =	vadd.f32 v52, v43  }
0x182: {  	v41 =	vsub.f32 v41, v33;
	v51 =	vperm.xlane v44, v1;
	v47 =	vmul.f32 v48, v47  }
0x183: {  	v46 =	vadd.f32 v53, v46;
	v42 =	vadd.f32 v50, v42;
	v48 =	vperm.xlane v45, v1  }
0x184: {  	v44 =	vadd.f32 v51, v44;
	v50 =	vperm.xlane v43, v1;
	v41 =	vmul.f32 v47, v41  }
0x185: {  	s23 =	sadd.s32 $0x200, s23;
	v51 =	vperm.xlane v49, v2;
	v52 =	vperm.xlane v46, v2;
	v45 =	vadd.f32 v48, v45  }
0x186: {  	v53 =	vperm.xlane v42, v2;
	v43 =	vadd.f32 v50, v43;
	v48 =	vperm.xlane v44, v2;
	[tilespmem:s23+$0xF0] =	vst v41  }
0x187: {  	v46 =	vadd.f32 v52, v46;
	v41 =	vadd.f32 v51, v49;
	v49 =	vperm.xlane v45, v2  }
0x188: {  	v42 =	vadd.f32 v53, v42;
	v44 =	vadd.f32 v48, v44;
	v48 =	vperm.xlane v43, v2  }
0x189: {  	v51 =	vperm.xlane v46, v3;
	v50 =	vperm.xlane v41, v3;
	v45 =	vadd.f32 v49, v45  }
0x18a: {  	v52 =	vperm.xlane v42, v3;
	v49 =	vperm.xlane v44, v3;
	v43 =	vadd.f32 v48, v43  }
0x18b: {  	v46 =	vadd.f32 v51, v46;
	v41 =	vadd.f32 v50, v41;
	v48 =	vperm.xlane v45, v3  }
0x18c: {  	v42 =	vadd.f32 v52, v42;
	v44 =	vadd.f32 v49, v44;
	v49 =	vperm.xlane v43, v3  }
0x18d: {  	v46 =	vmul.f32 $7.812500000e-03, v46;
	v41 =	vmul.f32 $7.812500000e-03, v41;
	v45 =	vadd.f32 v48, v45  }
0x18e: {  	v42 =	vmul.f32 $7.812500000e-03, v42;
	v44 =	vmul.f32 $7.812500000e-03, v44;
	v43 =	vadd.f32 v49, v43  }
0x18f: {  	v48 =	vmul.f32 v41, v41;
	v49 =	vsub.f32 v30, v41;
	v30 =	vmul.f32 $7.812500000e-03, v45  }
0x190: {  	v20 =	vsub.f32 v20, v41;
	v45 =	vmul.f32 v46, v46;
	v43 =	vmul.f32 $7.812500000e-03, v43  }
0x191: {  	v44 =	vsub.f32 v44, v48;
	v48 =	vsub.f32 v31, v41;
	v31 =	vmul.f32 v42, v42  }
0x192: {  	v10 =	vmul.f32 v4, v10;
	v50 =	vsub.f32 v35, v41;
	v30 =	vsub.f32 v30, v45  }
0x193: {  	v11 =	vmul.f32 v4, v11;
	v35 =	vadd.f32 $9.999999960e-13, v44;
	v31 =	vsub.f32 v43, v31  }
0x194: {  	v9 =	vmul.f32 v4, v9;
	v43 =	vsub.f32 v38, v41;
	v30 =	vadd.f32 $9.999999960e-13, v30;
	[tilespmem:s24+$0xB0] =	vst v10  }
0x195: {  	v10 =	vshrl.u32 v35, $0x1;
	v35 =	vmul.f32 $5.000000000e-01, v35;
	v31 =	vadd.f32 $9.999999960e-13, v31;
	[tilespmem:s24+$0xC0] =	vst v11  }
0x196: {  	v10 =	vsub.s32 $0x5F3759DF, v10;
	v11 =	vshrl.u32 v30, $0x1;
	v30 =	vmul.f32 $5.000000000e-01, v30;
	[tilespmem:s24+$0xD0] =	vst v9  }
0x197: {  	v9 =	vsub.s32 $0x5F3759DF, v11;
	v11 =	vshrl.u32 v31, $0x1;
	v31 =	vmul.f32 $5.000000000e-01, v31  }
0x198: {  	v35 =	vmul.f32 v10, v35;
	v30 =	vmul.f32 v9, v30;
	v11 =	vsub.s32 $0x5F3759DF, v11  }
0x199: {  	v45 =	vsub.f32 v39, v41;
	v44 =	vsub.f32 v36, v41;
	v31 =	vmul.f32 v11, v31  }
0x19a: {  	v41 =	vsub.f32 v40, v41;
	v35 =	vmul.f32 v10, v35;
	v30 =	vmul.f32 v9, v30  }
0x19b: {  	v17 =	vsub.f32 v17, v46;
	v51 =	vsub.f32 v19, v46;
	v19 =	vmul.f32 v11, v31  }
0x19c: {  	v5 =	vmul.f32 v4, v5;
	v4 =	vmovc v47;
	v31 =	vsub.f32 $1.500000000e+00, v35;
	v30 =	vsub.f32 $1.500000000e+00, v30  }
0x19d: {  	v35 =	vsub.f32 v22, v46;
	v19 =	vsub.f32 $1.500000000e+00, v19  }
0x19e: {  	v40 =	vsub.f32 v24, v46;
	v47 =	vmul.f32 v10, v31;
	v30 =	vmul.f32 v9, v30;
	[tilespmem:s24+$0xE0] =	vst v5;
	s24 =	smov.u32 s23  }
0x19f: {  	v29 =	vsub.f32 v29, v46;
	v38 =	vsub.f32 v26, v46;
	v22 =	vmul.f32 v11, v19  }
0x1a0: {  	v39 =	vsub.f32 v34, v46;
	v31 =	vsub.f32 v37, v46;
	v5 =	vmul.f32 v47, v49  }
0x1a1: {  	v34 =	vsub.f32 v16, v42;
	v9 =	vmul.f32 v47, v20;
	v19 =	vsub.f32 v18, v42  }
0x1a2: {  	v36 =	vsub.f32 v21, v42;
	v26 =	vsub.f32 v23, v42;
	[tilespmem:s23+$0xFFFFFF00] =	vst v5;
	v5 =	vmul.f32 v47, v48  }
0x1a3: {  	v27 =	vsub.f32 v27, v42;
	v37 =	vsub.f32 v25, v42;
	[tilespmem:s23+$0xFFFFFF10] =	vst v9;
	v9 =	vmul.f32 v47, v50  }
.Ltmp1:
0x1a4: {  	v16 =	vsub.f32 v28, v42;
	v18 =	vsub.f32 v32, v42;
	[tilespmem:s23+$0xFFFFFF20] =	vst v5;
	v5 =	vmul.f32 v47, v43;
	(pc) =	sbr.rel @p0 .LBB2_5-.Ltmp1, $4  }
0x1a5: {  	v24 =	vsub.f32 v6, v33;
	v23 =	vsub.f32 v7, v33;
	[tilespmem:s23+$0xFFFFFF30] =	vst v9;
	v9 =	vmul.f32 v47, v44  }
0x1a6: {  	v21 =	vsub.f32 v8, v33;
	v10 =	vsub.f32 v12, v33;
	[tilespmem:s23+$0xFFFFFF40] =	vst v5;
	v5 =	vmul.f32 v47, v45  }
0x1a7: {  	v7 =	vmul.f32 v47, v41;
	v11 =	vsub.f32 v13, v33;
	[tilespmem:s23+$0xFFFFFF50] =	vst v9;
	v9 =	vsub.f32 v14, v33  }
0x1a8: {  	s26 =	sadd.s32 $0x200, s26;
	v12 =	vmul.f32 v30, v17;
	v8 =	vmul.f32 v30, v51;
	[tilespmem:s23+$0xFFFFFF60] =	vst v5;
	v5 =	vsub.f32 v15, v33  }
0x1a9: {  	[tilespmem:s23+$0xFFFFFF70] =	vst v7  }
0x1aa: {  	v6 =	vmul.f32 v30, v35;
	[tilespmem:s23+$0xFFFFFF80] =	vst v12  }
0x1ab: {  	v45 =	vmul.f32 v30, v40;
	[tilespmem:s23+$0xFFFFFF90] =	vst v8  }
0x1ac: {  	v46 =	vmul.f32 v30, v38;
	[tilespmem:s23+$0xFFFFFFA0] =	vst v6  }
0x1ad: {  	v47 =	vmul.f32 v30, v29;
	[tilespmem:s23+$0xFFFFFFB0] =	vst v45  }
0x1ae: {  	v48 =	vmul.f32 v30, v39;
	[tilespmem:s23+$0xFFFFFFC0] =	vst v46  }
0x1af: {  	v49 =	vmul.f32 v30, v31;
	[tilespmem:s23+$0xFFFFFFD0] =	vst v47  }
0x1b0: {  	v50 =	vmul.f32 v22, v34;
	[tilespmem:s23+$0xFFFFFFE0] =	vst v48  }
0x1b1: {  	v51 =	vmul.f32 v22, v19;
	[tilespmem:s23+$0xFFFFFFF0] =	vst v49  }
0x1b2: {  	v52 =	vmul.f32 v22, v36;
	[tilespmem:s23+$0x0] =	vst v50  }
0x1b3: {  	v53 =	vmul.f32 v22, v26;
	[tilespmem:s23+$0x10] =	vst v51  }
0x1b4: {  	v54 =	vmul.f32 v22, v37;
	[tilespmem:s23+$0x20] =	vst v52  }
0x1b5: {  	v55 =	vmul.f32 v22, v27;
	[tilespmem:s23+$0x30] =	vst v53  }
0x1b6: {  	v56 =	vmul.f32 v22, v16;
	[tilespmem:s23+$0x40] =	vst v54  }
0x1b7: {  	v57 =	vmul.f32 v22, v18;
	[tilespmem:s23+$0x50] =	vst v55  }
0x1b8: {  	v58 =	vmul.f32 v4, v24;
	[tilespmem:s23+$0x60] =	vst v56  }
0x1b9: {  	v59 =	vmul.f32 v4, v23;
	[tilespmem:s23+$0x70] =	vst v57  }
0x1ba: {  	v60 =	vmul.f32 v4, v21;
	[tilespmem:s23+$0x80] =	vst v58  }
0x1bb: {  	v61 =	vmul.f32 v4, v10;
	p0 =	seq.s32 s21, $0xB;
	[tilespmem:s23+$0x90] =	vst v59  }
0x1bc: {  	v62 =	vmul.f32 v4, v11;
	[tilespmem:s23+$0xA0] =	vst v60;
	s23 =	sadd.s32 @!p0 s22, s9  }
0x1bd: {  	v63 =	vmul.f32 v4, v9;
	[tilespmem:s24+$0xB0] =	vst v61;
	s23 =	sshll.u32 @!p0 s23, $0x7  }
0x1be: {  	v4 =	vmul.f32 v4, v5;
	[tilespmem:s24+$0xC0] =	vst v62;
	s23 =	smin.u32 @!p0 s23, $0x18620  }
0x1bf: {  	s21 =	sadd.s32 $0x1, s21;
	[tilespmem:s24+$0xD0] =	vst v63;
	s23 =	sshll.u32 @!p0 s23, $0x4  }
0x1c0: {  	s25 =	simm.s32 @!p0 $0x4000;
	[tilespmem:s24+$0xE0] =	vst v4;
	s24 =	simm.s32 @!p0 $0x0;
	s23 =	sadd.s32 @!p0 s1, s23  }
0x1c1: {  	[tilespmem:s25], [sflag:$0x2] =	stream.linear.gather @!p0 [hbm4b:s23+s24], $0x4000, $0x38;
	[tilespmem:$0x10000] =	vst v63  }
0x1c2: {  	s31 =	sadd.s32 s22, s10;
	p0 =	sne.s32 s21, $0xC  }
.Ltmp2:
0x1c3: {  	s22 =	sshll.u32 s31, $0x7;
	(pc) =	sbr.rel @p0 .LBB2_2-.Ltmp2, $4  }
0x1c4: {  	s22 =	smin.u32 s22, $0x18620  }
0x1c5: {  	s22 =	sshll.u32 s22, $0x4  }
0x1c6: {  	s22 =	sadd.s32 s2, s22  }
0x1c7: {  	[hbm4b:s22+s3] =	stream.linear.scatter [tilespmem:s17], [sflag:$0x4], $0x4000, $0x38;
	[tilespmem:$0x10000] =	vst v63  }
0x1c8: {  	_ =	swait.ge [sflag:s14], $0x4000  }
0x1c9: {  	[sflag:s14] =	ssyncset.done $0x0  }
0x1ca: {  	[sflag:s14] =	ssyncadd.s32 $0xFFFFC000  }
0x1cb: {  	_ =	swait.ge [sflag:s18], $0x4000  }
0x1cc: {  	[sflag:s18] =	ssyncset.done $0x0  }
0x1cd: {  	s21 =	simm.s32 $0x100;
	[sflag:s18] =	ssyncadd.s32 $0xFFFFC000  }
0x1ce: {  	v6 =	vld [tilespmem:s21+$0x80]  }
0x1cf: {  	v7 =	vld [tilespmem:s21+$0x90]  }
0x1d0: {  	v4 =	vld [tilespmem:s21+$0xFFFFFF10]  }
0x1d1: {  	v5 =	vld [tilespmem:s21+$0xA0]  }
0x1d2: {  	v14 =	vld [tilespmem:s21+$0xFFFFFF80]  }
0x1d3: {  	v8 =	vld [tilespmem:s21+$0xB0]  }
0x1d4: {  	v15 =	vld [tilespmem:s21+$0xFFFFFF90]  }
0x1d5: {  	v9 =	vld [tilespmem:s21+$0xC0]  }
0x1d6: {  	v21 =	vld [tilespmem:s21+$0xFFFFFF00];
	v11 =	vmul.f32 v6, v6;
	v12 =	vadd.f32 v7, v6;
	v13 =	vmul.f32 v7, v7  }
0x1d7: {  	v10 =	vld [tilespmem:s21+$0x0];
	v17 =	vmul.f32 v5, v5  }
0x1d8: {  	v18 =	vmul.f32 v8, v8;
	v13 =	vadd.f32 v13, v11;
	v16 =	vadd.f32 v5, v12;
	v12 =	vld [tilespmem:s21+$0xD0]  }
0x1d9: {  	v19 =	vmul.f32 v14, v14;
	v20 =	vmul.f32 v15, v15;
	v11 =	vld [tilespmem:s21+$0x10]  }
0x1da: {  	v23 =	vld [tilespmem:s21+$0xFFFFFF20];
	v22 =	vmul.f32 v4, v4;
	v24 =	vadd.f32 v15, v14;
	v17 =	vadd.f32 v17, v13  }
0x1db: {  	v29 =	vmul.f32 v21, v21;
	v30 =	vadd.f32 v4, v21;
	v16 =	vadd.f32 v8, v16;
	v13 =	vld [tilespmem:s21+$0xE0]  }
0x1dc: {  	v20 =	vadd.f32 v20, v19;
	v17 =	vadd.f32 v18, v17;
	v18 =	vmul.f32 v9, v9  }
0x1dd: {  	v34 =	vld [tilespmem:s21+$0xF0];
	v26 =	vmul.f32 v10, v10;
	v22 =	vadd.f32 v22, v29;
	v16 =	vadd.f32 v9, v16  }
0x1de: {  	v25 =	vmul.f32 v12, v12;
	v28 =	vmul.f32 v11, v11;
	v17 =	vadd.f32 v18, v17;
	v18 =	vld [tilespmem:s21+$0xFFFFFFA0]  }
0x1df: {  	v33 =	vmul.f32 v23, v23;
	v30 =	vadd.f32 v23, v30;
	v19 =	vadd.f32 v12, v16;
	v16 =	vld [tilespmem:s21+$0x20]  }
0x1e0: {  	v28 =	vadd.f32 v28, v26;
	v26 =	vld [tilespmem:s21+$0xFFFFFF30];
	v17 =	vadd.f32 v25, v17;
	v25 =	vmul.f32 v13, v13  }
0x1e1: {  	v29 =	vld [tilespmem:s21+$0xFFFFFF40];
	v33 =	vadd.f32 v33, v22;
	v19 =	vadd.f32 v13, v19  }
0x1e2: {  	v32 =	vmul.f32 v34, v34;
	v27 =	vadd.f32 v11, v10;
	v25 =	vadd.f32 v25, v17  }
0x1e3: {  	v31 =	vadd.f32 v34, v19;
	v19 =	vld [tilespmem:s21+$0xFFFFFFB0];
	v24 =	vadd.f32 v18, v24;
	v35 =	vmul.f32 v18, v18  }
0x1e4: {  	v17 =	vld [tilespmem:s21+$0x30];
	v27 =	vadd.f32 v16, v27;
	v36 =	vmul.f32 v16, v16;
	v25 =	vadd.f32 v32, v25  }
0x1e5: {  	v44 =	vperm.xlane v31, v0;
	v37 =	vadd.f32 v26, v30;
	v38 =	vmul.f32 v26, v26  }
0x1e6: {  	v22 =	vld [tilespmem:s21+$0xFFFFFFC0];
	v48 =	vmul.f32 v29, v29;
	v35 =	vadd.f32 v35, v20;
	v28 =	vadd.f32 v36, v28  }
0x1e7: {  	v30 =	vld [tilespmem:s21+$0xFFFFFF50];
	v31 =	vadd.f32 v44, v31;
	v45 =	vperm.xlane v25, v0;
	v33 =	vadd.f32 v38, v33  }
0x1e8: {  	v20 =	vld [tilespmem:s21+$0x40];
	v37 =	vadd.f32 v29, v37;
	v39 =	vadd.f32 v19, v24;
	v46 =	vmul.f32 v19, v19  }
0x1e9: {  	v47 =	vadd.f32 v17, v27;
	v40 =	vmul.f32 v17, v17;
	v25 =	vadd.f32 v45, v25  }
0x1ea: {  	v27 =	vld [tilespmem:s21+$0xFFFFFFD0];
	v24 =	vperm.xlane v31, v1;
	v33 =	vadd.f32 v48, v33;
	v32 =	vadd.f32 v46, v35  }
0x1eb: {  	v39 =	vadd.f32 v22, v39;
	v28 =	vadd.f32 v40, v28  }
0x1ec: {  	v35 =	vld [tilespmem:s21+$0xFFFFFF60];
	v42 =	vmul.f32 v30, v30;
	v31 =	vadd.f32 v24, v31;
	v24 =	vperm.xlane v25, v1  }
0x1ed: {  	v41 =	vmul.f32 v22, v22;
	v37 =	vadd.f32 v30, v37;
	v36 =	vadd.f32 v20, v47  }
0x1ee: {  	v53 =	vadd.f32 v42, v33;
	v42 =	vld [tilespmem:s21+$0xFFFFFF70];
	v49 =	vperm.xlane v31, v2;
	v25 =	vadd.f32 v24, v25  }
0x1ef: {  	v51 =	vmul.f32 v20, v20;
	v41 =	vadd.f32 v41, v32;
	v24 =	vld [tilespmem:s21+$0x50];
	v39 =	vadd.f32 v27, v39  }
0x1f0: {  	v44 =	vmul.f32 v27, v27;
	v50 =	vadd.f32 v49, v31;
	v31 =	vperm.xlane v25, v2  }
0x1f1: {  	v38 =	vadd.f32 v51, v28;
	v28 =	vld [tilespmem:s21+$0x60];
	v37 =	vadd.f32 v35, v37;
	v46 =	vmul.f32 v35, v35  }
0x1f2: {  	v41 =	vadd.f32 v44, v41;
	v25 =	vadd.f32 v31, v25;
	v52 =	vperm.xlane v50, v3  }
0x1f3: {  	v31 =	vld [tilespmem:s21+$0xFFFFFFE0];
	v40 =	vadd.f32 v46, v53;
	v56 =	vmul.f32 v42, v42;
	v37 =	vadd.f32 v42, v37  }
0x1f4: {  	v36 =	vadd.f32 v24, v36;
	v45 =	vmul.f32 v24, v24;
	v43 =	vperm.xlane v25, v3  }
0x1f5: {  	v32 =	vadd.f32 v52, v50;
	v59 =	vperm.xlane v37, v0;
	v40 =	vadd.f32 v56, v40  }
0x1f6: {  	v33 =	vld [tilespmem:s21+$0xFFFFFFF0];
	v47 =	vmul.f32 v28, v28;
	v38 =	vadd.f32 v45, v38;
	v36 =	vadd.f32 v28, v36  }
0x1f7: {  	v43 =	vadd.f32 v43, v25;
	v25 =	vmul.f32 $7.812500000e-03, v32;
	v37 =	vadd.f32 v59, v37  }
0x1f8: {  	v32 =	vld [tilespmem:s21+$0x70];
	v63 =	vperm.xlane v40, v0;
	v39 =	vadd.f32 v31, v39;
	v55 =	vmul.f32 v31, v31  }
0x1f9: {  	v38 =	vadd.f32 v47, v38;
	v43 =	vmul.f32 $7.812500000e-03, v43;
	v54 =	vmul.f32 v25, v25  }
0x1fa: {  	v49 =	vperm.xlane v37, v1;
	v40 =	vadd.f32 v63, v40;
	v34 =	vsub.f32 v34, v25  }
0x1fb: {  	v41 =	vadd.f32 v55, v41;
	v39 =	vadd.f32 v33, v39  }
0x1fc: {  	v57 =	vmul.f32 v33, v33;
	v43 =	vsub.f32 v43, v54;
	v37 =	vadd.f32 v49, v37  }
0x1fd: {  	v53 =	vperm.xlane v40, v1;
	v58 =	vmul.f32 v32, v32;
	v36 =	vadd.f32 v32, v36  }
0x1fe: {  	v41 =	vadd.f32 v57, v41;
	v61 =	vperm.xlane v39, v0;
	v43 =	vadd.f32 $9.999999960e-13, v43  }
0x1ff: {  	v40 =	vadd.f32 v53, v40;
	v56 =	vperm.xlane v37, v2;
	v38 =	vadd.f32 v58, v38  }
0x200: {  	v62 =	vperm.xlane v36, v0;
	v39 =	vadd.f32 v61, v39;
	v48 =	vperm.xlane v41, v0  }
0x201: {  	v60 =	vshrl.u32 v43, $0x1;
	v43 =	vmul.f32 $5.000000000e-01, v43;
	v57 =	vperm.xlane v40, v2  }
0x202: {  	v37 =	vadd.f32 v56, v37;
	v46 =	vsub.s32 $0x5F3759DF, v60;
	v36 =	vadd.f32 v62, v36  }
0x203: {  	v50 =	vperm.xlane v38, v0;
	v41 =	vadd.f32 v48, v41;
	v51 =	vperm.xlane v39, v1  }
0x204: {  	v43 =	vmul.f32 v46, v43;
	v40 =	vadd.f32 v57, v40;
	v61 =	vperm.xlane v37, v3  }
0x205: {  	v52 =	vperm.xlane v36, v1;
	v38 =	vadd.f32 v50, v38;
	v54 =	vperm.xlane v41, v1  }
0x206: {  	v39 =	vadd.f32 v51, v39;
	v43 =	vmul.f32 v46, v43;
	v62 =	vperm.xlane v40, v3  }
0x207: {  	v37 =	vadd.f32 v61, v37;
	v36 =	vadd.f32 v52, v36;
	v55 =	vperm.xlane v38, v1  }
0x208: {  	v48 =	vperm.xlane v39, v2;
	v41 =	vadd.f32 v54, v41;
	v43 =	vsub.f32 $1.500000000e+00, v43  }
0x209: {  	v40 =	vadd.f32 v62, v40;
	v37 =	vmul.f32 $7.812500000e-03, v37;
	v38 =	vadd.f32 v55, v38  }
0x20a: {  	v58 =	vperm.xlane v36, v2;
	v39 =	vadd.f32 v48, v39;
	v59 =	vperm.xlane v41, v2  }
0x20b: {  	v40 =	vmul.f32 $7.812500000e-03, v40;
	v53 =	vmul.f32 v37, v37;
	v21 =	vsub.f32 v21, v37  }
0x20c: {  	v54 =	vsub.f32 v4, v37;
	v36 =	vadd.f32 v58, v36;
	v60 =	vperm.xlane v38, v2  }
0x20d: {  	v23 =	vsub.f32 v23, v37;
	v48 =	vperm.xlane v39, v3;
	v41 =	vadd.f32 v59, v41  }
0x20e: {  	v56 =	vsub.f32 v26, v37;
	v38 =	vadd.f32 v60, v38;
	v63 =	vperm.xlane v36, v3  }
0x20f: {  	v57 =	vsub.f32 v29, v37;
	v39 =	vadd.f32 v48, v39;
	v49 =	vperm.xlane v41, v3  }
0x210: {  	v61 =	vsub.f32 v30, v37;
	v36 =	vadd.f32 v63, v36;
	v50 =	vperm.xlane v38, v3  }
0x211: {  	v42 =	vsub.f32 v42, v37;
	v47 =	vmul.f32 $7.812500000e-03, v39;
	v51 =	vadd.f32 v49, v41  }
0x212: {  	v49 =	vsub.f32 v35, v37;
	v41 =	vmul.f32 $7.812500000e-03, v36;
	v52 =	vadd.f32 v50, v38  }
0x213: {  	v39 =	vmul.f32 $7.812500000e-03, v51;
	v4 =	vmul.f32 v47, v47;
	v38 =	vsub.f32 v40, v53  }
0x214: {  	v14 =	vsub.f32 v14, v47;
	v36 =	vmul.f32 $7.812500000e-03, v52;
	v55 =	vmul.f32 v41, v41  }
0x215: {  	v26 =	vsub.f32 v39, v4;
	v38 =	vadd.f32 $9.999999960e-13, v38  }
0x216: {  	v15 =	vsub.f32 v15, v47;
	v36 =	vsub.f32 v36, v55  }
0x217: {  	v26 =	vadd.f32 $9.999999960e-13, v26;
	v29 =	vshrl.u32 v38, $0x1;
	v38 =	vmul.f32 $5.000000000e-01, v38  }
0x218: {  	v35 =	vsub.f32 v18, v47;
	v40 =	vsub.f32 v19, v47;
	v29 =	vsub.s32 $0x5F3759DF, v29  }
0x219: {  	v36 =	vadd.f32 $9.999999960e-13, v36;
	v58 =	vshrl.u32 v26, $0x1;
	v38 =	vmul.f32 v29, v38  }
0x21a: {  	v4 =	vmul.f32 v46, v43;
	v26 =	vmul.f32 $5.000000000e-01, v26;
	v39 =	vsub.s32 $0x5F3759DF, v58  }
0x21b: {  	v59 =	vshrl.u32 v36, $0x1;
	v36 =	vmul.f32 $5.000000000e-01, v36;
	v62 =	vmul.f32 v29, v38  }
0x21c: {  	v34 =	vmul.f32 v4, v34;
	v26 =	vmul.f32 v39, v26;
	v60 =	vsub.s32 $0x5F3759DF, v59  }
0x21d: {  	s21 =	simm.s32 $0x8100;
	v19 =	vsub.f32 v11, v41;
	v30 =	vmul.f32 v60, v36;
	v63 =	vsub.f32 $1.500000000e+00, v62  }
0x21e: {  	v37 =	vsub.f32 v20, v41;
	[tilespmem:s21+$0xF0] =	vst v34;
	v34 =	vsub.f32 v10, v41;
	v26 =	vmul.f32 v39, v26  }
0x21f: {  	v38 =	vsub.f32 v22, v47;
	v30 =	vmul.f32 v60, v30;
	v50 =	vmul.f32 v29, v63  }
0x220: {  	v36 =	vsub.f32 v16, v41;
	v16 =	vsub.f32 v28, v41  }
0x221: {  	v26 =	vsub.f32 $1.500000000e+00, v26;
	v18 =	vsub.f32 $1.500000000e+00, v30;
	v10 =	vmul.f32 v50, v23  }
0x222: {  	v29 =	vsub.f32 v27, v47;
	v27 =	vsub.f32 v24, v41;
	v11 =	vmul.f32 v50, v56  }
0x223: {  	v24 =	vsub.f32 v6, v25;
	v22 =	vmul.f32 v60, v18;
	v18 =	vmul.f32 v50, v21;
	[tilespmem:s21+$0xFFFFFF20] =	vst v10  }
0x224: {  	v30 =	vmul.f32 v39, v26;
	v39 =	vsub.f32 v31, v47;
	v21 =	vmul.f32 v50, v54;
	[tilespmem:s21+$0xFFFFFF30] =	vst v11  }
0x225: {  	v31 =	vsub.f32 v33, v47;
	v26 =	vsub.f32 v17, v41;
	v10 =	vmul.f32 v50, v57;
	[tilespmem:s21+$0xFFFFFF00] =	vst v18  }
0x226: {  	v23 =	vsub.f32 v7, v25;
	v11 =	vmul.f32 v50, v61;
	[tilespmem:s21+$0xFFFFFF10] =	vst v21;
	v18 =	vsub.f32 v32, v41  }
0x227: {  	v6 =	vmul.f32 v50, v49;
	[tilespmem:s21+$0xFFFFFF40] =	vst v10;
	v21 =	vsub.f32 v5, v25;
	v10 =	vsub.f32 v8, v25  }
0x228: {  	v7 =	vmul.f32 v50, v42;
	[tilespmem:s21+$0xFFFFFF50] =	vst v11;
	v11 =	vsub.f32 v9, v25;
	v9 =	vsub.f32 v12, v25  }
0x229: {  	s23 =	simm.s32 $0x0;
	s24 =	simm.s32 $0x300;
	s22 =	simm.s32 $0x8100;
	[tilespmem:s21+$0xFFFFFF60] =	vst v6;
	v12 =	vmul.f32 v30, v14;
	v8 =	vmul.f32 v30, v15;
	v5 =	vsub.f32 v13, v25  }
.LBB2_8:
0x22a: {  	v6 =	vld [tilespmem:s24+$0x80];
	[tilespmem:s21+$0xFFFFFF70] =	vst v7;
	v13 =	vmul.f32 v30, v35;
	v14 =	vmul.f32 v30, v40  }
0x22b: {  	s23 =	sadd.s32 $0x4, s23;
	v15 =	vmul.f32 v30, v38;
	v25 =	vmul.f32 v30, v29;
	v7 =	vld [tilespmem:s24+$0x90];
	[tilespmem:s21+$0xFFFFFF80] =	vst v12  }
0x22c: {  	v28 =	vmul.f32 v30, v39;
	v29 =	vmul.f32 v30, v31;
	p0 =	slt.u32 s23, $0x7C;
	v20 =	vld [tilespmem:s24+$0xFFFFFF10];
	[tilespmem:s21+$0xFFFFFF90] =	vst v8  }
0x22d: {  	v30 =	vmul.f32 v22, v34;
	v31 =	vmul.f32 v22, v19;
	v8 =	vld [tilespmem:s24+$0xA0];
	[tilespmem:s21+$0xFFFFFFA0] =	vst v13  }
0x22e: {  	v32 =	vmul.f32 v22, v36;
	v26 =	vmul.f32 v22, v26;
	v17 =	vld [tilespmem:s24+$0xFFFFFF80];
	[tilespmem:s21+$0xFFFFFFB0] =	vst v14  }
0x22f: {  	v33 =	vmul.f32 v22, v37;
	v27 =	vmul.f32 v22, v27;
	v12 =	vld [tilespmem:s24+$0xB0];
	[tilespmem:s21+$0xFFFFFFC0] =	vst v15  }
0x230: {  	v14 =	vmul.f32 v6, v6;
	v19 =	vld [tilespmem:s24+$0xFFFFFF90];
	v15 =	vadd.f32 v7, v6;
	v34 =	vmul.f32 v7, v7;
	[tilespmem:s21+$0xFFFFFFD0] =	vst v25  }
0x231: {  	v25 =	vmul.f32 v20, v20;
	v13 =	vld [tilespmem:s24+$0xC0];
	[tilespmem:s21+$0xFFFFFFE0] =	vst v28;
	v28 =	vmul.f32 v22, v16  }
0x232: {  	v16 =	vld [tilespmem:s24+$0x0];
	v34 =	vadd.f32 v34, v14;
	v15 =	vadd.f32 v8, v15;
	v35 =	vmul.f32 v8, v8;
	[tilespmem:s21+$0xFFFFFFF0] =	vst v29  }
0x233: {  	v36 =	vmul.f32 v22, v18;
	v29 =	vmul.f32 v17, v17;
	v14 =	vld [tilespmem:s24+$0xD0];
	[tilespmem:s21+$0x0] =	vst v30  }
0x234: {  	v18 =	vld [tilespmem:s24+$0x10];
	v22 =	vadd.f32 v35, v34;
	v34 =	vadd.f32 v12, v15;
	v35 =	vmul.f32 v12, v12;
	[tilespmem:s21+$0x10] =	vst v31  }
0x235: {  	v24 =	vmul.f32 v4, v24;
	v37 =	vadd.f32 v19, v17;
	v31 =	vmul.f32 v19, v19;
	v15 =	vld [tilespmem:s24+$0xE0];
	[tilespmem:s21+$0x20] =	vst v32  }
0x236: {  	v30 =	vld [tilespmem:s24+$0xFFFFFF00];
	v22 =	vadd.f32 v35, v22;
	v32 =	vadd.f32 v13, v34;
	v34 =	vmul.f32 v13, v13;
	[tilespmem:s21+$0x30] =	vst v26  }
0x237: {  	v23 =	vmul.f32 v4, v23;
	v29 =	vadd.f32 v31, v29;
	v26 =	vmul.f32 v16, v16;
	v41 =	vld [tilespmem:s24+$0xF0];
	[tilespmem:s21+$0x40] =	vst v33  }
0x238: {  	v31 =	vld [tilespmem:s24+$0xFFFFFF20];
	v33 =	vadd.f32 v34, v22;
	v32 =	vadd.f32 v14, v32;
	v34 =	vmul.f32 v14, v14;
	[tilespmem:s21+$0x50] =	vst v27  }
0x239: {  	v22 =	vld [tilespmem:s24+$0xFFFFFFA0];
	v27 =	vadd.f32 v18, v16;
	v38 =	vmul.f32 v18, v18;
	[tilespmem:s21+$0x60] =	vst v28;
	v28 =	vmul.f32 v4, v21  }
0x23a: {  	v21 =	vld [tilespmem:s24+$0x20];
	v33 =	vadd.f32 v34, v33;
	v32 =	vadd.f32 v15, v32;
	v34 =	vmul.f32 v15, v15;
	[tilespmem:s21+$0x70] =	vst v36  }
0x23b: {  	v35 =	vld [tilespmem:s24+$0xFFFFFF30];
	v36 =	vmul.f32 v30, v30;
	v39 =	vadd.f32 v20, v30;
	v40 =	vadd.f32 v38, v26;
	[tilespmem:s21+$0x80] =	vst v24  }
0x23c: {  	v24 =	vld [tilespmem:s24+$0xFFFFFFB0];
	v26 =	vadd.f32 v34, v33;
	v32 =	vadd.f32 v41, v32;
	v33 =	vmul.f32 v41, v41;
	[tilespmem:s21+$0x90] =	vst v23  }
0x23d: {  	v25 =	vadd.f32 v25, v36;
	v34 =	vadd.f32 v31, v39;
	v36 =	vmul.f32 v31, v31;
	v23 =	vld [tilespmem:s24+$0x30];
	[tilespmem:s21+$0xA0] =	vst v28  }
0x23e: {  	v38 =	vld [tilespmem:s24+$0xFFFFFF40];
	v28 =	vadd.f32 v22, v37;
	v33 =	vadd.f32 v33, v26;
	v37 =	vperm.xlane v32, v0  }
0x23f: {  	v39 =	vmul.f32 v22, v22;
	v26 =	vld [tilespmem:s24+$0xFFFFFFC0];
	v42 =	vadd.f32 v21, v27;
	v43 =	vmul.f32 v21, v21  }
0x240: {  	v44 =	vadd.f32 v36, v25;
	v25 =	vld [tilespmem:s24+$0x40];
	v32 =	vadd.f32 v37, v32;
	v27 =	vperm.xlane v33, v0  }
0x241: {  	v34 =	vadd.f32 v35, v34;
	v37 =	vmul.f32 v35, v35;
	v45 =	vadd.f32 v39, v29;
	v36 =	vld [tilespmem:s24+$0xFFFFFF50]  }
0x242: {  	v46 =	vadd.f32 v24, v28;
	v29 =	vld [tilespmem:s24+$0xFFFFFFD0];
	v28 =	vperm.xlane v32, v1;
	v33 =	vadd.f32 v27, v33  }
0x243: {  	v47 =	vmul.f32 v24, v24;
	v43 =	vadd.f32 v43, v40;
	v42 =	vadd.f32 v23, v42;
	v27 =	vld [tilespmem:s24+$0x50]  }
0x244: {  	v48 =	vmul.f32 v23, v23;
	v39 =	vld [tilespmem:s24+$0xFFFFFF60];
	v32 =	vadd.f32 v28, v32;
	v40 =	vperm.xlane v33, v1  }
0x245: {  	v44 =	vadd.f32 v37, v44;
	v49 =	vadd.f32 v38, v34;
	v50 =	vmul.f32 v38, v38;
	v34 =	vld [tilespmem:s24+$0xFFFFFFE0]  }
0x246: {  	v45 =	vadd.f32 v47, v45;
	v28 =	vld [tilespmem:s24+$0x60];
	v47 =	vperm.xlane v32, v2;
	v33 =	vadd.f32 v40, v33  }
0x247: {  	v46 =	vadd.f32 v26, v46;
	v51 =	vmul.f32 v26, v26;
	v43 =	vadd.f32 v48, v43;
	v40 =	vld [tilespmem:s24+$0xFFFFFF70]  }
0x248: {  	v42 =	vadd.f32 v25, v42;
	v37 =	vld [tilespmem:s24+$0xFFFFFFF0];
	v47 =	vadd.f32 v47, v32;
	v48 =	vperm.xlane v33, v2  }
0x249: {  	v44 =	vadd.f32 v50, v44;
	v50 =	vmul.f32 v25, v25;
	v49 =	vadd.f32 v36, v49;
	v32 =	vld [tilespmem:s24+$0x70]  }
0x24a: {  	v45 =	vadd.f32 v51, v45;
	v51 =	vperm.xlane v47, v3;
	v48 =	vadd.f32 v48, v33  }
0x24b: {  	v46 =	vadd.f32 v29, v46;
	v43 =	vadd.f32 v50, v43;
	v33 =	vmul.f32 v36, v36  }
0x24c: {  	v42 =	vadd.f32 v27, v42;
	v47 =	vadd.f32 v51, v47;
	v50 =	vperm.xlane v48, v3  }
0x24d: {  	v52 =	vmul.f32 v27, v27;
	v44 =	vadd.f32 v33, v44;
	v51 =	vmul.f32 v29, v29  }
0x24e: {  	v49 =	vadd.f32 v39, v49;
	v33 =	vmul.f32 $7.812500000e-03, v47;
	v47 =	vadd.f32 v50, v48  }
0x24f: {  	v46 =	vadd.f32 v34, v46;
	v48 =	vmul.f32 v39, v39;
	v45 =	vadd.f32 v51, v45  }
0x250: {  	v43 =	vadd.f32 v52, v43;
	v47 =	vmul.f32 $7.812500000e-03, v47;
	v50 =	vmul.f32 v33, v33  }
0x251: {  	v42 =	vadd.f32 v28, v42;
	v52 =	vmul.f32 v28, v28;
	v51 =	vmul.f32 v34, v34  }
0x252: {  	v44 =	vadd.f32 v48, v44;
	v48 =	vmul.f32 v40, v40;
	v47 =	vsub.f32 v47, v50  }
0x253: {  	v49 =	vadd.f32 v40, v49;
	v45 =	vadd.f32 v51, v45;
	v50 =	vmul.f32 v37, v37  }
0x254: {  	v46 =	vadd.f32 v37, v46;
	v51 =	vmul.f32 v32, v32;
	v47 =	vadd.f32 $9.999999960e-13, v47  }
0x255: {  	v43 =	vadd.f32 v52, v43;
	v53 =	vperm.xlane v49, v0;
	v42 =	vadd.f32 v32, v42  }
0x256: {  	v44 =	vadd.f32 v48, v44;
	v48 =	vshrl.u32 v47, $0x1;
	v47 =	vmul.f32 $5.000000000e-01, v47  }
0x257: {  	v45 =	vadd.f32 v50, v45;
	v50 =	vperm.xlane v46, v0;
	v48 =	vsub.s32 $0x5F3759DF, v48  }
0x258: {  	v43 =	vadd.f32 v51, v43;
	v51 =	vperm.xlane v42, v0;
	v47 =	vmul.f32 v48, v47  }
0x259: {  	v49 =	vadd.f32 v53, v49;
	v52 =	vperm.xlane v44, v0;
	v46 =	vadd.f32 v50, v46  }
0x25a: {  	v42 =	vadd.f32 v51, v42;
	v50 =	vperm.xlane v45, v0;
	v47 =	vmul.f32 v48, v47  }
0x25b: {  	v51 =	vperm.xlane v49, v1;
	v44 =	vadd.f32 v52, v44;
	v52 =	vperm.xlane v43, v0  }
0x25c: {  	v53 =	vperm.xlane v46, v1;
	v45 =	vadd.f32 v50, v45;
	v47 =	vsub.f32 $1.500000000e+00, v47  }
0x25d: {  	v49 =	vadd.f32 v51, v49;
	v50 =	vperm.xlane v42, v1;
	v43 =	vadd.f32 v52, v43  }
0x25e: {  	v41 =	vsub.f32 v41, v33;
	v51 =	vperm.xlane v44, v1;
	v47 =	vmul.f32 v48, v47  }
0x25f: {  	v46 =	vadd.f32 v53, v46;
	v42 =	vadd.f32 v50, v42;
	v48 =	vperm.xlane v45, v1  }
0x260: {  	v44 =	vadd.f32 v51, v44;
	v50 =	vperm.xlane v43, v1;
	v41 =	vmul.f32 v47, v41  }
0x261: {  	s21 =	sadd.s32 $0x200, s21;
	v51 =	vperm.xlane v49, v2;
	v52 =	vperm.xlane v46, v2;
	v45 =	vadd.f32 v48, v45  }
0x262: {  	v53 =	vperm.xlane v42, v2;
	v43 =	vadd.f32 v50, v43;
	v48 =	vperm.xlane v44, v2;
	[tilespmem:s21+$0xF0] =	vst v41  }
0x263: {  	v46 =	vadd.f32 v52, v46;
	v41 =	vadd.f32 v51, v49;
	v49 =	vperm.xlane v45, v2  }
0x264: {  	v42 =	vadd.f32 v53, v42;
	v44 =	vadd.f32 v48, v44;
	v48 =	vperm.xlane v43, v2  }
0x265: {  	v51 =	vperm.xlane v46, v3;
	v50 =	vperm.xlane v41, v3;
	v45 =	vadd.f32 v49, v45  }
0x266: {  	v52 =	vperm.xlane v42, v3;
	v49 =	vperm.xlane v44, v3;
	v43 =	vadd.f32 v48, v43  }
0x267: {  	v46 =	vadd.f32 v51, v46;
	v41 =	vadd.f32 v50, v41;
	v48 =	vperm.xlane v45, v3  }
0x268: {  	v42 =	vadd.f32 v52, v42;
	v44 =	vadd.f32 v49, v44;
	v49 =	vperm.xlane v43, v3  }
0x269: {  	v46 =	vmul.f32 $7.812500000e-03, v46;
	v41 =	vmul.f32 $7.812500000e-03, v41;
	v45 =	vadd.f32 v48, v45  }
0x26a: {  	v42 =	vmul.f32 $7.812500000e-03, v42;
	v44 =	vmul.f32 $7.812500000e-03, v44;
	v43 =	vadd.f32 v49, v43  }
0x26b: {  	v48 =	vmul.f32 v41, v41;
	v49 =	vsub.f32 v30, v41;
	v30 =	vmul.f32 $7.812500000e-03, v45  }
0x26c: {  	v20 =	vsub.f32 v20, v41;
	v45 =	vmul.f32 v46, v46;
	v43 =	vmul.f32 $7.812500000e-03, v43  }
0x26d: {  	v44 =	vsub.f32 v44, v48;
	v48 =	vsub.f32 v31, v41;
	v31 =	vmul.f32 v42, v42  }
0x26e: {  	v10 =	vmul.f32 v4, v10;
	v50 =	vsub.f32 v35, v41;
	v30 =	vsub.f32 v30, v45  }
0x26f: {  	v11 =	vmul.f32 v4, v11;
	v35 =	vadd.f32 $9.999999960e-13, v44;
	v31 =	vsub.f32 v43, v31  }
0x270: {  	v9 =	vmul.f32 v4, v9;
	v43 =	vsub.f32 v38, v41;
	v30 =	vadd.f32 $9.999999960e-13, v30;
	[tilespmem:s22+$0xB0] =	vst v10  }
0x271: {  	v10 =	vshrl.u32 v35, $0x1;
	v35 =	vmul.f32 $5.000000000e-01, v35;
	v31 =	vadd.f32 $9.999999960e-13, v31;
	[tilespmem:s22+$0xC0] =	vst v11  }
0x272: {  	v10 =	vsub.s32 $0x5F3759DF, v10;
	v11 =	vshrl.u32 v30, $0x1;
	v30 =	vmul.f32 $5.000000000e-01, v30;
	[tilespmem:s22+$0xD0] =	vst v9  }
0x273: {  	v9 =	vsub.s32 $0x5F3759DF, v11;
	v11 =	vshrl.u32 v31, $0x1;
	v31 =	vmul.f32 $5.000000000e-01, v31  }
0x274: {  	v35 =	vmul.f32 v10, v35;
	v30 =	vmul.f32 v9, v30;
	v11 =	vsub.s32 $0x5F3759DF, v11  }
0x275: {  	v45 =	vsub.f32 v39, v41;
	v44 =	vsub.f32 v36, v41;
	v31 =	vmul.f32 v11, v31  }
0x276: {  	v41 =	vsub.f32 v40, v41;
	v35 =	vmul.f32 v10, v35;
	v30 =	vmul.f32 v9, v30  }
0x277: {  	v17 =	vsub.f32 v17, v46;
	v51 =	vsub.f32 v19, v46;
	v19 =	vmul.f32 v11, v31  }
0x278: {  	v5 =	vmul.f32 v4, v5;
	v4 =	vmovc v47;
	v31 =	vsub.f32 $1.500000000e+00, v35;
	v30 =	vsub.f32 $1.500000000e+00, v30  }
0x279: {  	v35 =	vsub.f32 v22, v46;
	v19 =	vsub.f32 $1.500000000e+00, v19  }
0x27a: {  	v40 =	vsub.f32 v24, v46;
	v47 =	vmul.f32 v10, v31;
	v30 =	vmul.f32 v9, v30;
	[tilespmem:s22+$0xE0] =	vst v5;
	s22 =	smov.u32 s21  }
0x27b: {  	v29 =	vsub.f32 v29, v46;
	v38 =	vsub.f32 v26, v46;
	v22 =	vmul.f32 v11, v19  }
0x27c: {  	v39 =	vsub.f32 v34, v46;
	v31 =	vsub.f32 v37, v46;
	v5 =	vmul.f32 v47, v49  }
0x27d: {  	v34 =	vsub.f32 v16, v42;
	v9 =	vmul.f32 v47, v20;
	v19 =	vsub.f32 v18, v42  }
0x27e: {  	v36 =	vsub.f32 v21, v42;
	v26 =	vsub.f32 v23, v42;
	[tilespmem:s21+$0xFFFFFF00] =	vst v5;
	v5 =	vmul.f32 v47, v48  }
0x27f: {  	v27 =	vsub.f32 v27, v42;
	v37 =	vsub.f32 v25, v42;
	[tilespmem:s21+$0xFFFFFF10] =	vst v9;
	v9 =	vmul.f32 v47, v50  }
.Ltmp3:
0x280: {  	v16 =	vsub.f32 v28, v42;
	v18 =	vsub.f32 v32, v42;
	[tilespmem:s21+$0xFFFFFF20] =	vst v5;
	v5 =	vmul.f32 v47, v43;
	(pc) =	sbr.rel @p0 .LBB2_8-.Ltmp3, $4  }
0x281: {  	v24 =	vsub.f32 v6, v33;
	v23 =	vsub.f32 v7, v33;
	[tilespmem:s21+$0xFFFFFF30] =	vst v9;
	v9 =	vmul.f32 v47, v44  }
0x282: {  	v21 =	vsub.f32 v8, v33;
	v10 =	vsub.f32 v12, v33;
	[tilespmem:s21+$0xFFFFFF40] =	vst v5;
	v5 =	vmul.f32 v47, v45  }
0x283: {  	v7 =	vmul.f32 v47, v41;
	v11 =	vsub.f32 v13, v33;
	[tilespmem:s21+$0xFFFFFF50] =	vst v9;
	v9 =	vsub.f32 v14, v33  }
0x284: {  	s24 =	sadd.s32 $0x200, s24;
	v12 =	vmul.f32 v30, v17;
	v8 =	vmul.f32 v30, v51;
	[tilespmem:s21+$0xFFFFFF60] =	vst v5;
	v5 =	vsub.f32 v15, v33  }
0x285: {  	[tilespmem:s21+$0xFFFFFF70] =	vst v7  }
0x286: {  	v6 =	vmul.f32 v30, v35;
	[tilespmem:s21+$0xFFFFFF80] =	vst v12  }
0x287: {  	v45 =	vmul.f32 v30, v40;
	[tilespmem:s21+$0xFFFFFF90] =	vst v8  }
0x288: {  	v46 =	vmul.f32 v30, v38;
	[tilespmem:s21+$0xFFFFFFA0] =	vst v6  }
0x289: {  	v47 =	vmul.f32 v30, v29;
	[tilespmem:s21+$0xFFFFFFB0] =	vst v45  }
0x28a: {  	v48 =	vmul.f32 v30, v39;
	[tilespmem:s21+$0xFFFFFFC0] =	vst v46  }
0x28b: {  	v49 =	vmul.f32 v30, v31;
	[tilespmem:s21+$0xFFFFFFD0] =	vst v47  }
0x28c: {  	v50 =	vmul.f32 v22, v34;
	[tilespmem:s21+$0xFFFFFFE0] =	vst v48  }
0x28d: {  	v51 =	vmul.f32 v22, v19;
	[tilespmem:s21+$0xFFFFFFF0] =	vst v49  }
0x28e: {  	v52 =	vmul.f32 v22, v36;
	[tilespmem:s21+$0x0] =	vst v50  }
0x28f: {  	v53 =	vmul.f32 v22, v26;
	[tilespmem:s21+$0x10] =	vst v51  }
0x290: {  	v54 =	vmul.f32 v22, v37;
	[tilespmem:s21+$0x20] =	vst v52  }
0x291: {  	v55 =	vmul.f32 v22, v27;
	[tilespmem:s21+$0x30] =	vst v53  }
0x292: {  	v56 =	vmul.f32 v22, v16;
	[tilespmem:s21+$0x40] =	vst v54  }
0x293: {  	v57 =	vmul.f32 v22, v18;
	[tilespmem:s21+$0x50] =	vst v55  }
0x294: {  	v58 =	vmul.f32 v4, v24;
	[tilespmem:s21+$0x60] =	vst v56  }
0x295: {  	v59 =	vmul.f32 v4, v23;
	[tilespmem:s21+$0x70] =	vst v57  }
0x296: {  	v60 =	vmul.f32 v4, v21;
	[tilespmem:s21+$0x80] =	vst v58  }
0x297: {  	v61 =	vmul.f32 v4, v10;
	[tilespmem:s21+$0x90] =	vst v59  }
0x298: {  	v62 =	vmul.f32 v4, v11;
	[tilespmem:s21+$0xA0] =	vst v60  }
0x299: {  	v63 =	vmul.f32 v4, v9;
	[tilespmem:s22+$0xB0] =	vst v61  }
0x29a: {  	v4 =	vmul.f32 v4, v5;
	[tilespmem:s22+$0xC0] =	vst v62  }
0x29b: {  	[tilespmem:s22+$0xD0] =	vst v63  }
0x29c: {  	s20 =	sadd.s32 $0x1, s20;
	[tilespmem:s22+$0xE0] =	vst v4  }
0x29d: {  	[hbm4b:s11+s3] =	stream.linear.scatter [tilespmem:s15], [sflag:$0x3], $0x4000, $0x38;
	[tilespmem:$0x10000] =	vst v63  }
0x29e: {  	p0 =	sne.s32 s20, s12;
	_ =	swait.ge [sflag:s18], $0x4000  }
.Ltmp4:
0x29f: {  	[sflag:s18] =	ssyncset.done $0x0;
	(pc) =	sbr.rel @p0 .LBB2_1-.Ltmp4, $4  }
0x2a0: {  	[sflag:s18] =	ssyncadd.s32 $0xFFFFC000  }
0x2a1: {  	_ =	swait.ge [sflag:s19], $0x4000  }
0x2a2: {  	[sflag:s19] =	ssyncset.done $0x0  }
0x2a3: {  	[sflag:s19] =	ssyncadd.s32 $0xFFFFC000  }
0x2a4: {  	_ =	sfence.sel $0x180000  }
0x2a5: {  	[bflag:$0x0] =	sbarrier.arrive $0xFFFF  }
0x2a6: {  	p0 =	sne.s32 s0, $0x0;
	_ =	strace $0x90000047  }
0x2a7: {  	s0 =	sadd.s32 @!p0 $0x100000, s4;
	[bflag:$0x2] =	sbarrier.arrive $0xFFFF  }
0x2a8: {  	[sflag:s0] =	ssyncadd.tile.s32 @!p0 $0x1;
	_ =	shalt  }
.Lfunc_end2:
_tile_overlayer_lowered:
.L_overlay_start_2:
0x2a9: {  	(tag) =	ssettag $0x2  }
0x2aa: {  	s0 =	rddreg [dreg:$0x0];
	s2 =	stileid.u32  }
0x2ab: {  	s1 =	rddreg [dreg:$0x1];
	p0 =	sne.s32 s2, $0x0  }
0x2ac: {  	s3 =	rddreg [dreg:$0x2];
	[bflag:$0x3] =	sbarrier.arrive $0xFFFF;
	s2 =	simm.s32 @!p0 $0x1C05  }
0x2ad: {  	[timem:s3], [sflag:s2] =	dma.local @!p0 [hbm:s0], s1  }
0x2ae: {  	s0 =	simm.s32 @!p0 $0x5  }
0x2af: {  	_ =	swait.ge @!p0 [sflag:s0], s1  }
0x2b0: {  	s1 =	ssub.s32 @!p0 $0x0, s1;
	[sflag:s0] =	ssyncset.done @!p0 $0x0  }
0x2b1: {  	[sflag:s0] =	ssyncadd.s32 @!p0 s1  }
0x2b2: {  	[bflag:$0x3] =	sbarrier.arrive $0xFFFF  }
0x2b3: {  	_ =	shalt  }

</sc_bundles>
